<compile_context>
chip_gen: v7x
topology: tpu7x:2x2x1
jax: 0.10.2.dev20260603
libtpu: 0.0.44.dev20260713+nightly
codegen_flags: <defaults>
</compile_context>

<pallas_src>
import functools

import jax
import jax.numpy as jnp
from jax import lax
from jax.experimental import pallas as pl
from jax.experimental.pallas import tpu as pltpu
from jax.experimental.pallas import tpu_sc as plsc

N_NODES = 10000
N_EDGES = 320000
D = 128

NC = 2
NS = 16
NW = NC * NS
EPW = N_EDGES // NW
CHK = 64
NSC = -(-EPW // CHK)
NTAIL = EPW - (NSC - 1) * CHK
N_PAD = N_NODES + 8
NBUF = 6
NLOOP = (NSC - NBUF) // NBUF

ZR = 624
ZR_TAIL = N_NODES - NS * ZR


def _make_segsum():
    mesh = plsc.VectorSubcoreMesh(core_axis_name="c", subcore_axis_name="s")

    @functools.partial(
        pl.kernel,
        mesh=mesh,
        out_type=jax.ShapeDtypeStruct((NC, N_NODES, D), jnp.float32),
        scratch_types=[
            pltpu.VMEM((NBUF, CHK, D), jnp.float32),
            pltpu.VMEM((NBUF, CHK), jnp.int32),
            pltpu.VMEM_SHARED((N_PAD, D), jnp.float32),
        ] + [pltpu.SemaphoreType.DMA] * (2 * NBUF),
    )
    def segsum(edge_hbm, col_hbm, zero_hbm, out_hbm, rows_v, idx_v, acc_s,
               *sems):
        sems_r = sems[:NBUF]
        sems_i = sems[NBUF:]
        c = lax.axis_index("c")
        s = lax.axis_index("s")
        wid = c * NS + s
        base = wid * EPW

        def issue(k, b, last=False):
            off = base + (EPW - CHK if last else k * CHK)
            pltpu.async_copy(edge_hbm.at[pl.ds(off, CHK)], rows_v.at[b],
                             sems_r[b])
            pltpu.async_copy(col_hbm.at[pl.ds(off, CHK)], idx_v.at[b],
                             sems_i[b])

        def wait_gathers(b):
            pltpu.make_async_copy(edge_hbm.at[pl.ds(base, CHK)], rows_v.at[b],
                                  sems_r[b]).wait()
            pltpu.make_async_copy(col_hbm.at[pl.ds(base, CHK)], idx_v.at[b],
                                  sems_i[b]).wait()

        def scatter(b):
            pltpu.sync_copy(rows_v.at[b], acc_s.at[idx_v.at[b]], add=True)

        for b in range(NBUF):
            issue(b, b, last=(b == NSC - 1))

        pltpu.sync_copy(zero_hbm.at[pl.ds(0, ZR)], acc_s.at[pl.ds(s * ZR, ZR)])

        @pl.when(s == NS - 1)
        def _():
            pltpu.sync_copy(zero_hbm.at[pl.ds(0, ZR_TAIL)],
                            acc_s.at[pl.ds(NS * ZR, ZR_TAIL)])

        plsc.subcore_barrier()

        def body(i, carry):
            k0 = NBUF * i
            for t in range(NBUF):
                wait_gathers(t)
                scatter(t)
                issue(k0 + t + NBUF, t)
            return carry

        lax.fori_loop(0, NLOOP, body, 0)

        for k in range(NBUF * NLOOP, NSC):
            b = k % NBUF
            wait_gathers(b)
            if k == NSC - 1:
                for j in range((CHK - NTAIL) // 16):
                    idx_v[b, pl.ds(16 * j, 16)] = jnp.full(
                        (16,), N_NODES, jnp.int32)
            scatter(b)
            nxt = k + NBUF
            if nxt < NSC:
                issue(nxt, b, last=(nxt == NSC - 1))

        plsc.subcore_barrier()

        pltpu.sync_copy(acc_s.at[pl.ds(s * ZR, ZR)],
                        out_hbm.at[c, pl.ds(s * ZR, ZR)])

        @pl.when(s == NS - 1)
        def _():
            pltpu.sync_copy(acc_s.at[pl.ds(NS * ZR, ZR_TAIL)],
                            out_hbm.at[c, pl.ds(NS * ZR, ZR_TAIL)])

    return segsum


_SEGSUM = _make_segsum()

BLK = 2000


def _rowspec():
    return pl.BlockSpec((BLK, D), lambda i: (i, 0))


def _fullspec(shape):
    return pl.BlockSpec(shape, lambda i: (0,) * len(shape))


def _mlp_pre_body(x_ref, e_ref, w_ref, b1_ref, o_ref):
    cat = jnp.concatenate([x_ref[...], e_ref[...]], axis=1)
    o_ref[...] = (jnp.dot(cat, w_ref[...],
                          preferred_element_type=jnp.float32) + b1_ref[...])


def _mlp_pre(x, enc, W1a, b1):
    return pl.pallas_call(
        _mlp_pre_body,
        grid=(N_NODES // BLK,),
        in_specs=[_rowspec(), _rowspec(), _fullspec((2 * D, D)),
                  _fullspec((1, D))],
        out_specs=_rowspec(),
        out_shape=jax.ShapeDtypeStruct((N_NODES, D), jnp.float32),
    )(x, enc, W1a, b1.reshape(1, D))


def _mlp_post_body(pre_ref, p0_ref, p1_ref, wc_ref, w2_ref, b2_ref, o_ref):
    recv = p0_ref[...] + p1_ref[...]
    h = pre_ref[...] + jnp.dot(recv, wc_ref[...],
                               preferred_element_type=jnp.float32)
    h = jnp.maximum(h, 0.0)
    h = jnp.dot(h, w2_ref[...], preferred_element_type=jnp.float32)
    o_ref[...] = jnp.maximum(h + b2_ref[...], 0.0)


def _mlp_post(pre, partial, W1c, W2, b2):
    pflat = partial.reshape(NC * N_NODES, D)
    p1spec = pl.BlockSpec((BLK, D), lambda i: (i + N_NODES // BLK, 0))

    return pl.pallas_call(
        _mlp_post_body,
        grid=(N_NODES // BLK,),
        in_specs=[_rowspec(), _rowspec(), p1spec,
                  _fullspec((D, D)), _fullspec((D, D)), _fullspec((1, D))],
        out_specs=_rowspec(),
        out_shape=jax.ShapeDtypeStruct((N_NODES, D), jnp.float32),
    )(pre, pflat, pflat, W1c, W2, b2.reshape(1, D))


def kernel(x, edge_index, edge_attr, encoded_x, batch, W1, b1, W2, b2):
    col = edge_index[1].astype(jnp.int32)
    zeros = jnp.zeros((ZR, D), jnp.float32)
    partial = _SEGSUM(edge_attr, col, zeros)
    pre = _mlp_pre(x, encoded_x, W1[:2 * D], b1)
    return _mlp_post(pre, partial, W1[2 * D:], W2, b2)

# --- scband reference (transcript-rebuilt; emitter-appended) ---
"""Pipeline reference for scband-node-update-24412594111263 (READ-ONLY COPY).

The authoritative reference and input builder live on the scoring server;
editing this copy changes nothing except your own understanding.
"""

import jax, jax.numpy as jnp
import numpy as np

N_NODES = 10000
N_EDGES = 320000
D = 128


def setup_inputs(seed: int = 0) -> dict:
    key = jax.random.key(seed)
    k1, k2, k3, k4, k5, k6, k7, k8 = jax.random.split(key, 8)
    x = jax.random.normal(k1, (N_NODES, D), dtype=jnp.float32)
    edge_index = jax.random.randint(k2, (2, N_EDGES), 0, N_NODES, dtype=jnp.int64)
    edge_attr = jax.random.normal(k3, (N_EDGES, D), dtype=jnp.float32)
    encoded_x = jax.random.normal(k4, (N_NODES, D), dtype=jnp.float32)
    batch = jnp.zeros((N_NODES,), dtype=jnp.int64)
    # MLP params: fc1 (3D -> D), fc2 (D -> D); stored as [in, out] so y = x @ W + b
    s1 = 1.0 / np.sqrt(3 * D)
    s2 = 1.0 / np.sqrt(D)
    W1 = jax.random.uniform(k5, (3 * D, D), minval=-s1, maxval=s1, dtype=jnp.float32)
    b1 = jax.random.uniform(k6, (D,), minval=-s1, maxval=s1, dtype=jnp.float32)
    W2 = jax.random.uniform(k7, (D, D), minval=-s2, maxval=s2, dtype=jnp.float32)
    b2 = jax.random.uniform(k8, (D,), minval=-s2, maxval=s2, dtype=jnp.float32)
    return {"x": x, "edge_index": edge_index, "edge_attr": edge_attr,
            "encoded_x": encoded_x, "batch": batch,
            "W1": W1, "b1": b1, "W2": W2, "b2": b2}


def reference(x, edge_index, edge_attr, encoded_x, batch, W1, b1, W2, b2):
    col = edge_index[1]
    # scatter-add edge messages to destination nodes
    recv = jax.ops.segment_sum(edge_attr, col, num_segments=x.shape[0])
    out = jnp.concatenate([x, encoded_x, recv], axis=1)
    h = jax.nn.relu(out @ W1 + b1)
    h = jax.nn.relu(h @ W2 + b2)
    return h

if __name__ == "__main__":
    import jax
    _d = setup_inputs()
    print(jax.jit(kernel)(*tuple(_d.values())))

</pallas_src>

<mosaic_0001>
#map = affine_map<(d0, d1) -> (0, 0)>
#map1 = affine_map<(d0, d1) -> (0)>
#map2 = affine_map<(d0, d1) -> (0, 0, 0)>
module attributes {stable_mosaic.version = 14 : i64} {
  func.func @segsum(%arg0: i32, %arg1: i32, %arg2: memref<320000x128xf32, #tpu.memory_space<hbm>>, %arg3: memref<320000xi32, #tpu.memory_space<hbm>>, %arg4: memref<624x128xf32, #tpu.memory_space<hbm>>, %arg5: memref<2x10000x128xf32, #tpu.memory_space<hbm>>, %arg6: memref<6x64x128xf32, #tpu.memory_space<vmem>>, %arg7: memref<6x64xi32, #tpu.memory_space<vmem>>, %arg8: memref<10008x128xf32, #tpu.memory_space<vmem_shared>>, %arg9: memref<!tpu.dma_semaphore, #tpu.memory_space<semaphore_mem>>, %arg10: memref<!tpu.dma_semaphore, #tpu.memory_space<semaphore_mem>>, %arg11: memref<!tpu.dma_semaphore, #tpu.memory_space<semaphore_mem>>, %arg12: memref<!tpu.dma_semaphore, #tpu.memory_space<semaphore_mem>>, %arg13: memref<!tpu.dma_semaphore, #tpu.memory_space<semaphore_mem>>, %arg14: memref<!tpu.dma_semaphore, #tpu.memory_space<semaphore_mem>>, %arg15: memref<!tpu.dma_semaphore, #tpu.memory_space<semaphore_mem>>, %arg16: memref<!tpu.dma_semaphore, #tpu.memory_space<semaphore_mem>>, %arg17: memref<!tpu.dma_semaphore, #tpu.memory_space<semaphore_mem>>, %arg18: memref<!tpu.dma_semaphore, #tpu.memory_space<semaphore_mem>>, %arg19: memref<!tpu.dma_semaphore, #tpu.memory_space<semaphore_mem>>, %arg20: memref<!tpu.dma_semaphore, #tpu.memory_space<semaphore_mem>>) attributes {dimension_semantics = [#tpu.dimension_semantics<core_parallel>, #tpu.dimension_semantics<subcore_parallel>], iteration_bounds = array<i64: 2, 16>, scalar_prefetch = 0 : i64, scratch_operands = 15 : i64, tpu.core_type = #tpu.core_type<sc_vector_subcore>, window_params = [{transform_indices = #map}, {transform_indices = #map1}, {transform_indices = #map}, {transform_indices = #map2}]} {
    %mul3A = arith.constant 16 : i32
    %mul3A_0 = arith.muli %arg0, %mul3A : i32
    %add3A = arith.addi %mul3A_0, %arg1 : i32
    %mul3A_1 = arith.constant 10000 : i32
    %mul3A_2 = arith.muli %add3A, %mul3A_1 : i32
    %add3A_3 = arith.constant 0 : i32
    %add3A_4 = arith.addi %mul3A_2, %add3A_3 : i32
    %dma_start3A = arith.constant 0 : i32
    %dma_start3A_5 = arith.constant 0 : i32
    %dma_start3A_6 = arith.constant 0 : i32
    %dma_start3A_7 = tpu.memref_slice %arg6[%dma_start3A, %dma_start3A_5, %dma_start3A_6] : memref<6x64x128xf32, #tpu.memory_space<vmem>> -> memref<1x64x128xf32, #tpu.memory_space<vmem>>
    %dma_start3A_8 = tpu.memref_squeeze %dma_start3A_7 : memref<1x64x128xf32, #tpu.memory_space<vmem>> -> memref<64x128xf32, #tpu.memory_space<vmem>>
    %dma_start3A_9 = arith.constant 0 : i32
    %dma_start3A_10 = tpu.memref_slice %arg2[%add3A_4, %dma_start3A_9] : memref<320000x128xf32, #tpu.memory_space<hbm>> -> memref<64x128xf32, #tpu.memory_space<hbm>>
    %dma_start3A_11 = arith.constant 0 : i32
    %dma_start3A_12 = arith.constant 0 : i32
    %dma_start3A_13 = tpu.memref_slice %arg6[%dma_start3A, %dma_start3A_11, %dma_start3A_12] : memref<6x64x128xf32, #tpu.memory_space<vmem>> -> memref<1x64x128xf32, #tpu.memory_space<vmem>>
    %dma_start3A_14 = tpu.memref_squeeze %dma_start3A_13 : memref<1x64x128xf32, #tpu.memory_space<vmem>> -> memref<64x128xf32, #tpu.memory_space<vmem>>
    %dma_start3A_15 = arith.constant 0 : i32
    %dma_start3A_16 = tpu.memref_slice %arg2[%add3A_4, %dma_start3A_15] : memref<320000x128xf32, #tpu.memory_space<hbm>> -> memref<64x128xf32, #tpu.memory_space<hbm>>
    tpu.enqueue_dma source(%dma_start3A_16 : memref<64x128xf32, #tpu.memory_space<hbm>>) target(%dma_start3A_14 : memref<64x128xf32, #tpu.memory_space<vmem>>) target_semaphore(%arg9 : memref<!tpu.dma_semaphore, #tpu.memory_space<semaphore_mem>>)
    %dma_start3A_17 = arith.constant 0 : i32
    %dma_start3A_18 = arith.constant 0 : i32
    %dma_start3A_19 = tpu.memref_slice %arg7[%dma_start3A_17, %dma_start3A_18] : memref<6x64xi32, #tpu.memory_space<vmem>> -> memref<1x64xi32, #tpu.memory_space<vmem>>
    %dma_start3A_20 = tpu.memref_squeeze %dma_start3A_19 : memref<1x64xi32, #tpu.memory_space<vmem>> -> memref<64xi32, #tpu.memory_space<vmem>>
    %dma_start3A_21 = tpu.memref_slice %arg3[%add3A_4] : memref<320000xi32, #tpu.memory_space<hbm>> -> memref<64xi32, #tpu.memory_space<hbm>>
    %dma_start3A_22 = arith.constant 0 : i32
    %dma_start3A_23 = tpu.memref_slice %arg7[%dma_start3A_17, %dma_start3A_22] : memref<6x64xi32, #tpu.memory_space<vmem>> -> memref<1x64xi32, #tpu.memory_space<vmem>>
    %dma_start3A_24 = tpu.memref_squeeze %dma_start3A_23 : memref<1x64xi32, #tpu.memory_space<vmem>> -> memref<64xi32, #tpu.memory_space<vmem>>
    %dma_start3A_25 = tpu.memref_slice %arg3[%add3A_4] : memref<320000xi32, #tpu.memory_space<hbm>> -> memref<64xi32, #tpu.memory_space<hbm>>
    tpu.enqueue_dma source(%dma_start3A_25 : memref<64xi32, #tpu.memory_space<hbm>>) target(%dma_start3A_24 : memref<64xi32, #tpu.memory_space<vmem>>) target_semaphore(%arg15 : memref<!tpu.dma_semaphore, #tpu.memory_space<semaphore_mem>>)
    %add3A_26 = arith.constant 64 : i32
    %add3A_27 = arith.addi %mul3A_2, %add3A_26 : i32
    %dma_start3A_28 = arith.constant 1 : i32
    %dma_start3A_29 = arith.constant 0 : i32
    %dma_start3A_30 = arith.constant 0 : i32
    %dma_start3A_31 = tpu.memref_slice %arg6[%dma_start3A_28, %dma_start3A_29, %dma_start3A_30] : memref<6x64x128xf32, #tpu.memory_space<vmem>> -> memref<1x64x128xf32, #tpu.memory_space<vmem>>
    %dma_start3A_32 = tpu.memref_squeeze %dma_start3A_31 : memref<1x64x128xf32, #tpu.memory_space<vmem>> -> memref<64x128xf32, #tpu.memory_space<vmem>>
    %dma_start3A_33 = arith.constant 0 : i32
    %dma_start3A_34 = tpu.memref_slice %arg2[%add3A_27, %dma_start3A_33] : memref<320000x128xf32, #tpu.memory_space<hbm>> -> memref<64x128xf32, #tpu.memory_space<hbm>>
    %dma_start3A_35 = arith.constant 0 : i32
    %dma_start3A_36 = arith.constant 0 : i32
    %dma_start3A_37 = tpu.memref_slice %arg6[%dma_start3A_28, %dma_start3A_35, %dma_start3A_36] : memref<6x64x128xf32, #tpu.memory_space<vmem>> -> memref<1x64x128xf32, #tpu.memory_space<vmem>>
    %dma_start3A_38 = tpu.memref_squeeze %dma_start3A_37 : memref<1x64x128xf32, #tpu.memory_space<vmem>> -> memref<64x128xf32, #tpu.memory_space<vmem>>
    %dma_start3A_39 = arith.constant 0 : i32
    %dma_start3A_40 = tpu.memref_slice %arg2[%add3A_27, %dma_start3A_39] : memref<320000x128xf32, #tpu.memory_space<hbm>> -> memref<64x128xf32, #tpu.memory_space<hbm>>
    tpu.enqueue_dma source(%dma_start3A_40 : memref<64x128xf32, #tpu.memory_space<hbm>>) target(%dma_start3A_38 : memref<64x128xf32, #tpu.memory_space<vmem>>) target_semaphore(%arg10 : memref<!tpu.dma_semaphore, #tpu.memory_space<semaphore_mem>>)
    %dma_start3A_41 = arith.constant 1 : i32
    %dma_start3A_42 = arith.constant 0 : i32
    %dma_start3A_43 = tpu.memref_slice %arg7[%dma_start3A_41, %dma_start3A_42] : memref<6x64xi32, #tpu.memory_space<vmem>> -> memref<1x64xi32, #tpu.memory_space<vmem>>
    %dma_start3A_44 = tpu.memref_squeeze %dma_start3A_43 : memref<1x64xi32, #tpu.memory_space<vmem>> -> memref<64xi32, #tpu.memory_space<vmem>>
    %dma_start3A_45 = tpu.memref_slice %arg3[%add3A_27] : memref<320000xi32, #tpu.memory_space<hbm>> -> memref<64xi32, #tpu.memory_space<hbm>>
    %dma_start3A_46 = arith.constant 0 : i32
    %dma_start3A_47 = tpu.memref_slice %arg7[%dma_start3A_41, %dma_start3A_46] : memref<6x64xi32, #tpu.memory_space<vmem>> -> memref<1x64xi32, #tpu.memory_space<vmem>>
    %dma_start3A_48 = tpu.memref_squeeze %dma_start3A_47 : memref<1x64xi32, #tpu.memory_space<vmem>> -> memref<64xi32, #tpu.memory_space<vmem>>
    %dma_start3A_49 = tpu.memref_slice %arg3[%add3A_27] : memref<320000xi32, #tpu.memory_space<hbm>> -> memref<64xi32, #tpu.memory_space<hbm>>
    tpu.enqueue_dma source(%dma_start3A_49 : memref<64xi32, #tpu.memory_space<hbm>>) target(%dma_start3A_48 : memref<64xi32, #tpu.memory_space<vmem>>) target_semaphore(%arg16 : memref<!tpu.dma_semaphore, #tpu.memory_space<semaphore_mem>>)
    %add3A_50 = arith.constant 128 : i32
    %add3A_51 = arith.addi %mul3A_2, %add3A_50 : i32
    %dma_start3A_52 = arith.constant 2 : i32
    %dma_start3A_53 = arith.constant 0 : i32
    %dma_start3A_54 = arith.constant 0 : i32
    %dma_start3A_55 = tpu.memref_slice %arg6[%dma_start3A_52, %dma_start3A_53, %dma_start3A_54] : memref<6x64x128xf32, #tpu.memory_space<vmem>> -> memref<1x64x128xf32, #tpu.memory_space<vmem>>
    %dma_start3A_56 = tpu.memref_squeeze %dma_start3A_55 : memref<1x64x128xf32, #tpu.memory_space<vmem>> -> memref<64x128xf32, #tpu.memory_space<vmem>>
    %dma_start3A_57 = arith.constant 0 : i32
    %dma_start3A_58 = tpu.memref_slice %arg2[%add3A_51, %dma_start3A_57] : memref<320000x128xf32, #tpu.memory_space<hbm>> -> memref<64x128xf32, #tpu.memory_space<hbm>>
    %dma_start3A_59 = arith.constant 0 : i32
    %dma_start3A_60 = arith.constant 0 : i32
    %dma_start3A_61 = tpu.memref_slice %arg6[%dma_start3A_52, %dma_start3A_59, %dma_start3A_60] : memref<6x64x128xf32, #tpu.memory_space<vmem>> -> memref<1x64x128xf32, #tpu.memory_space<vmem>>
    %dma_start3A_62 = tpu.memref_squeeze %dma_start3A_61 : memref<1x64x128xf32, #tpu.memory_space<vmem>> -> memref<64x128xf32, #tpu.memory_space<vmem>>
    %dma_start3A_63 = arith.constant 0 : i32
    %dma_start3A_64 = tpu.memref_slice %arg2[%add3A_51, %dma_start3A_63] : memref<320000x128xf32, #tpu.memory_space<hbm>> -> memref<64x128xf32, #tpu.memory_space<hbm>>
    tpu.enqueue_dma source(%dma_start3A_64 : memref<64x128xf32, #tpu.memory_space<hbm>>) target(%dma_start3A_62 : memref<64x128xf32, #tpu.memory_space<vmem>>) target_semaphore(%arg11 : memref<!tpu.dma_semaphore, #tpu.memory_space<semaphore_mem>>)
    %dma_start3A_65 = arith.constant 2 : i32
    %dma_start3A_66 = arith.constant 0 : i32
    %dma_start3A_67 = tpu.memref_slice %arg7[%dma_start3A_65, %dma_start3A_66] : memref<6x64xi32, #tpu.memory_space<vmem>> -> memref<1x64xi32, #tpu.memory_space<vmem>>
    %dma_start3A_68 = tpu.memref_squeeze %dma_start3A_67 : memref<1x64xi32, #tpu.memory_space<vmem>> -> memref<64xi32, #tpu.memory_space<vmem>>
    %dma_start3A_69 = tpu.memref_slice %arg3[%add3A_51] : memref<320000xi32, #tpu.memory_space<hbm>> -> memref<64xi32, #tpu.memory_space<hbm>>
    %dma_start3A_70 = arith.constant 0 : i32
    %dma_start3A_71 = tpu.memref_slice %arg7[%dma_start3A_65, %dma_start3A_70] : memref<6x64xi32, #tpu.memory_space<vmem>> -> memref<1x64xi32, #tpu.memory_space<vmem>>
    %dma_start3A_72 = tpu.memref_squeeze %dma_start3A_71 : memref<1x64xi32, #tpu.memory_space<vmem>> -> memref<64xi32, #tpu.memory_space<vmem>>
    %dma_start3A_73 = tpu.memref_slice %arg3[%add3A_51] : memref<320000xi32, #tpu.memory_space<hbm>> -> memref<64xi32, #tpu.memory_space<hbm>>
    tpu.enqueue_dma source(%dma_start3A_73 : memref<64xi32, #tpu.memory_space<hbm>>) target(%dma_start3A_72 : memref<64xi32, #tpu.memory_space<vmem>>) target_semaphore(%arg17 : memref<!tpu.dma_semaphore, #tpu.memory_space<semaphore_mem>>)
    %add3A_74 = arith.constant 192 : i32
    %add3A_75 = arith.addi %mul3A_2, %add3A_74 : i32
    %dma_start3A_76 = arith.constant 3 : i32
    %dma_start3A_77 = arith.constant 0 : i32
    %dma_start3A_78 = arith.constant 0 : i32
    %dma_start3A_79 = tpu.memref_slice %arg6[%dma_start3A_76, %dma_start3A_77, %dma_start3A_78] : memref<6x64x128xf32, #tpu.memory_space<vmem>> -> memref<1x64x128xf32, #tpu.memory_space<vmem>>
    %dma_start3A_80 = tpu.memref_squeeze %dma_start3A_79 : memref<1x64x128xf32, #tpu.memory_space<vmem>> -> memref<64x128xf32, #tpu.memory_space<vmem>>
    %dma_start3A_81 = arith.constant 0 : i32
    %dma_start3A_82 = tpu.memref_slice %arg2[%add3A_75, %dma_start3A_81] : memref<320000x128xf32, #tpu.memory_space<hbm>> -> memref<64x128xf32, #tpu.memory_space<hbm>>
    %dma_start3A_83 = arith.constant 0 : i32
    %dma_start3A_84 = arith.constant 0 : i32
    %dma_start3A_85 = tpu.memref_slice %arg6[%dma_start3A_76, %dma_start3A_83, %dma_start3A_84] : memref<6x64x128xf32, #tpu.memory_space<vmem>> -> memref<1x64x128xf32, #tpu.memory_space<vmem>>
    %dma_start3A_86 = tpu.memref_squeeze %dma_start3A_85 : memref<1x64x128xf32, #tpu.memory_space<vmem>> -> memref<64x128xf32, #tpu.memory_space<vmem>>
    %dma_start3A_87 = arith.constant 0 : i32
    %dma_start3A_88 = tpu.memref_slice %arg2[%add3A_75, %dma_start3A_87] : memref<320000x128xf32, #tpu.memory_space<hbm>> -> memref<64x128xf32, #tpu.memory_space<hbm>>
    tpu.enqueue_dma source(%dma_start3A_88 : memref<64x128xf32, #tpu.memory_space<hbm>>) target(%dma_start3A_86 : memref<64x128xf32, #tpu.memory_space<vmem>>) target_semaphore(%arg12 : memref<!tpu.dma_semaphore, #tpu.memory_space<semaphore_mem>>)
    %dma_start3A_89 = arith.constant 3 : i32
    %dma_start3A_90 = arith.constant 0 : i32
    %dma_start3A_91 = tpu.memref_slice %arg7[%dma_start3A_89, %dma_start3A_90] : memref<6x64xi32, #tpu.memory_space<vmem>> -> memref<1x64xi32, #tpu.memory_space<vmem>>
    %dma_start3A_92 = tpu.memref_squeeze %dma_start3A_91 : memref<1x64xi32, #tpu.memory_space<vmem>> -> memref<64xi32, #tpu.memory_space<vmem>>
    %dma_start3A_93 = tpu.memref_slice %arg3[%add3A_75] : memref<320000xi32, #tpu.memory_space<hbm>> -> memref<64xi32, #tpu.memory_space<hbm>>
    %dma_start3A_94 = arith.constant 0 : i32
    %dma_start3A_95 = tpu.memref_slice %arg7[%dma_start3A_89, %dma_start3A_94] : memref<6x64xi32, #tpu.memory_space<vmem>> -> memref<1x64xi32, #tpu.memory_space<vmem>>
    %dma_start3A_96 = tpu.memref_squeeze %dma_start3A_95 : memref<1x64xi32, #tpu.memory_space<vmem>> -> memref<64xi32, #tpu.memory_space<vmem>>
    %dma_start3A_97 = tpu.memref_slice %arg3[%add3A_75] : memref<320000xi32, #tpu.memory_space<hbm>> -> memref<64xi32, #tpu.memory_space<hbm>>
    tpu.enqueue_dma source(%dma_start3A_97 : memref<64xi32, #tpu.memory_space<hbm>>) target(%dma_start3A_96 : memref<64xi32, #tpu.memory_space<vmem>>) target_semaphore(%arg18 : memref<!tpu.dma_semaphore, #tpu.memory_space<semaphore_mem>>)
    %add3A_98 = arith.constant 256 : i32
    %add3A_99 = arith.addi %mul3A_2, %add3A_98 : i32
    %dma_start3A_100 = arith.constant 4 : i32
    %dma_start3A_101 = arith.constant 0 : i32
    %dma_start3A_102 = arith.constant 0 : i32
    %dma_start3A_103 = tpu.memref_slice %arg6[%dma_start3A_100, %dma_start3A_101, %dma_start3A_102] : memref<6x64x128xf32, #tpu.memory_space<vmem>> -> memref<1x64x128xf32, #tpu.memory_space<vmem>>
    %dma_start3A_104 = tpu.memref_squeeze %dma_start3A_103 : memref<1x64x128xf32, #tpu.memory_space<vmem>> -> memref<64x128xf32, #tpu.memory_space<vmem>>
    %dma_start3A_105 = arith.constant 0 : i32
    %dma_start3A_106 = tpu.memref_slice %arg2[%add3A_99, %dma_start3A_105] : memref<320000x128xf32, #tpu.memory_space<hbm>> -> memref<64x128xf32, #tpu.memory_space<hbm>>
    %dma_start3A_107 = arith.constant 0 : i32
    %dma_start3A_108 = arith.constant 0 : i32
    %dma_start3A_109 = tpu.memref_slice %arg6[%dma_start3A_100, %dma_start3A_107, %dma_start3A_108] : memref<6x64x128xf32, #tpu.memory_space<vmem>> -> memref<1x64x128xf32, #tpu.memory_space<vmem>>
    %dma_start3A_110 = tpu.memref_squeeze %dma_start3A_109 : memref<1x64x128xf32, #tpu.memory_space<vmem>> -> memref<64x128xf32, #tpu.memory_space<vmem>>
    %dma_start3A_111 = arith.constant 0 : i32
    %dma_start3A_112 = tpu.memref_slice %arg2[%add3A_99, %dma_start3A_111] : memref<320000x128xf32, #tpu.memory_space<hbm>> -> memref<64x128xf32, #tpu.memory_space<hbm>>
    tpu.enqueue_dma source(%dma_start3A_112 : memref<64x128xf32, #tpu.memory_space<hbm>>) target(%dma_start3A_110 : memref<64x128xf32, #tpu.memory_space<vmem>>) target_semaphore(%arg13 : memref<!tpu.dma_semaphore, #tpu.memory_space<semaphore_mem>>)
    %dma_start3A_113 = arith.constant 4 : i32
    %dma_start3A_114 = arith.constant 0 : i32
    %dma_start3A_115 = tpu.memref_slice %arg7[%dma_start3A_113, %dma_start3A_114] : memref<6x64xi32, #tpu.memory_space<vmem>> -> memref<1x64xi32, #tpu.memory_space<vmem>>
    %dma_start3A_116 = tpu.memref_squeeze %dma_start3A_115 : memref<1x64xi32, #tpu.memory_space<vmem>> -> memref<64xi32, #tpu.memory_space<vmem>>
    %dma_start3A_117 = tpu.memref_slice %arg3[%add3A_99] : memref<320000xi32, #tpu.memory_space<hbm>> -> memref<64xi32, #tpu.memory_space<hbm>>
    %dma_start3A_118 = arith.constant 0 : i32
    %dma_start3A_119 = tpu.memref_slice %arg7[%dma_start3A_113, %dma_start3A_118] : memref<6x64xi32, #tpu.memory_space<vmem>> -> memref<1x64xi32, #tpu.memory_space<vmem>>
    %dma_start3A_120 = tpu.memref_squeeze %dma_start3A_119 : memref<1x64xi32, #tpu.memory_space<vmem>> -> memref<64xi32, #tpu.memory_space<vmem>>
    %dma_start3A_121 = tpu.memref_slice %arg3[%add3A_99] : memref<320000xi32, #tpu.memory_space<hbm>> -> memref<64xi32, #tpu.memory_space<hbm>>
    tpu.enqueue_dma source(%dma_start3A_121 : memref<64xi32, #tpu.memory_space<hbm>>) target(%dma_start3A_120 : memref<64xi32, #tpu.memory_space<vmem>>) target_semaphore(%arg19 : memref<!tpu.dma_semaphore, #tpu.memory_space<semaphore_mem>>)
    %add3A_122 = arith.constant 320 : i32
    %add3A_123 = arith.addi %mul3A_2, %add3A_122 : i32
    %dma_start3A_124 = arith.constant 5 : i32
    %dma_start3A_125 = arith.constant 0 : i32
    %dma_start3A_126 = arith.constant 0 : i32
    %dma_start3A_127 = tpu.memref_slice %arg6[%dma_start3A_124, %dma_start3A_125, %dma_start3A_126] : memref<6x64x128xf32, #tpu.memory_space<vmem>> -> memref<1x64x128xf32, #tpu.memory_space<vmem>>
    %dma_start3A_128 = tpu.memref_squeeze %dma_start3A_127 : memref<1x64x128xf32, #tpu.memory_space<vmem>> -> memref<64x128xf32, #tpu.memory_space<vmem>>
    %dma_start3A_129 = arith.constant 0 : i32
    %dma_start3A_130 = tpu.memref_slice %arg2[%add3A_123, %dma_start3A_129] : memref<320000x128xf32, #tpu.memory_space<hbm>> -> memref<64x128xf32, #tpu.memory_space<hbm>>
    %dma_start3A_131 = arith.constant 0 : i32
    %dma_start3A_132 = arith.constant 0 : i32
    %dma_start3A_133 = tpu.memref_slice %arg6[%dma_start3A_124, %dma_start3A_131, %dma_start3A_132] : memref<6x64x128xf32, #tpu.memory_space<vmem>> -> memref<1x64x128xf32, #tpu.memory_space<vmem>>
    %dma_start3A_134 = tpu.memref_squeeze %dma_start3A_133 : memref<1x64x128xf32, #tpu.memory_space<vmem>> -> memref<64x128xf32, #tpu.memory_space<vmem>>
    %dma_start3A_135 = arith.constant 0 : i32
    %dma_start3A_136 = tpu.memref_slice %arg2[%add3A_123, %dma_start3A_135] : memref<320000x128xf32, #tpu.memory_space<hbm>> -> memref<64x128xf32, #tpu.memory_space<hbm>>
    tpu.enqueue_dma source(%dma_start3A_136 : memref<64x128xf32, #tpu.memory_space<hbm>>) target(%dma_start3A_134 : memref<64x128xf32, #tpu.memory_space<vmem>>) target_semaphore(%arg14 : memref<!tpu.dma_semaphore, #tpu.memory_space<semaphore_mem>>)
    %dma_start3A_137 = arith.constant 5 : i32
    %dma_start3A_138 = arith.constant 0 : i32
    %dma_start3A_139 = tpu.memref_slice %arg7[%dma_start3A_137, %dma_start3A_138] : memref<6x64xi32, #tpu.memory_space<vmem>> -> memref<1x64xi32, #tpu.memory_space<vmem>>
    %dma_start3A_140 = tpu.memref_squeeze %dma_start3A_139 : memref<1x64xi32, #tpu.memory_space<vmem>> -> memref<64xi32, #tpu.memory_space<vmem>>
    %dma_start3A_141 = tpu.memref_slice %arg3[%add3A_123] : memref<320000xi32, #tpu.memory_space<hbm>> -> memref<64xi32, #tpu.memory_space<hbm>>
    %dma_start3A_142 = arith.constant 0 : i32
    %dma_start3A_143 = tpu.memref_slice %arg7[%dma_start3A_137, %dma_start3A_142] : memref<6x64xi32, #tpu.memory_space<vmem>> -> memref<1x64xi32, #tpu.memory_space<vmem>>
    %dma_start3A_144 = tpu.memref_squeeze %dma_start3A_143 : memref<1x64xi32, #tpu.memory_space<vmem>> -> memref<64xi32, #tpu.memory_space<vmem>>
    %dma_start3A_145 = tpu.memref_slice %arg3[%add3A_123] : memref<320000xi32, #tpu.memory_space<hbm>> -> memref<64xi32, #tpu.memory_space<hbm>>
    tpu.enqueue_dma source(%dma_start3A_145 : memref<64xi32, #tpu.memory_space<hbm>>) target(%dma_start3A_144 : memref<64xi32, #tpu.memory_space<vmem>>) target_semaphore(%arg20 : memref<!tpu.dma_semaphore, #tpu.memory_space<semaphore_mem>>)
    %mul3A_146 = arith.constant 624 : i32
    %mul3A_147 = arith.muli %arg1, %mul3A_146 : i32
    "tpu.region"() ({
      %run_scoped3A_377 = tpu.sem_alloc : memref<!tpu.dma_semaphore, #tpu.memory_space<semaphore_mem>>
      %dma_start3A_378 = arith.constant 0 : i32
      %dma_start3A_379 = tpu.memref_slice %arg8[%mul3A_147, %dma_start3A_378] : memref<10008x128xf32, #tpu.memory_space<vmem_shared>> -> memref<624x128xf32, #tpu.memory_space<vmem_shared>>
      %dma_start3A_380 = arith.constant 0 : i32
      %dma_start3A_381 = arith.constant 0 : i32
      %dma_start3A_382 = tpu.memref_slice %arg4[%dma_start3A_380, %dma_start3A_381] : memref<624x128xf32, #tpu.memory_space<hbm>> -> memref<624x128xf32, #tpu.memory_space<hbm>>
      tpu.enqueue_dma source(%dma_start3A_382 : memref<624x128xf32, #tpu.memory_space<hbm>>) target(%dma_start3A_379 : memref<624x128xf32, #tpu.memory_space<vmem_shared>>) target_semaphore(%run_scoped3A_377 : memref<!tpu.dma_semaphore, #tpu.memory_space<semaphore_mem>>)
      %dma_wait3A_383 = arith.constant 0 : i32
      %dma_wait3A_384 = tpu.memref_slice %arg8[%mul3A_147, %dma_wait3A_383] : memref<10008x128xf32, #tpu.memory_space<vmem_shared>> -> memref<624x128xf32, #tpu.memory_space<vmem_shared>>
      %dma_wait3A_385 = arith.constant 0 : i32
      %dma_wait3A_386 = arith.constant 0 : i32
      %dma_wait3A_387 = tpu.memref_slice %arg4[%dma_wait3A_385, %dma_wait3A_386] : memref<624x128xf32, #tpu.memory_space<hbm>> -> memref<624x128xf32, #tpu.memory_space<hbm>>
      tpu.wait_dma2 semaphore(%run_scoped3A_377 : memref<!tpu.dma_semaphore, #tpu.memory_space<semaphore_mem>>) src(%dma_wait3A_387 : memref<624x128xf32, #tpu.memory_space<hbm>>) dst(%dma_wait3A_384 : memref<624x128xf32, #tpu.memory_space<vmem_shared>>)
      tpu.yield
    }) : () -> ()
    %eq3A = arith.constant 15 : i32
    %eq3A_148 = arith.cmpi eq, %arg1, %eq3A : i32
    %convert_element_type3A = arith.extui %eq3A_148 : i1 to i32
    %cond3A = arith.constant 0 : i32
    %cond3A_149 = arith.cmpi ne, %convert_element_type3A, %cond3A : i32
    scf.if %cond3A_149 {
      "tpu.region"() ({
        %run_scoped3A_377 = tpu.sem_alloc : memref<!tpu.dma_semaphore, #tpu.memory_space<semaphore_mem>>
        %dma_start3A_378 = arith.constant 9984 : i32
        %dma_start3A_379 = arith.constant 0 : i32
        %dma_start3A_380 = tpu.memref_slice %arg8[%dma_start3A_378, %dma_start3A_379] : memref<10008x128xf32, #tpu.memory_space<vmem_shared>> -> memref<16x128xf32, #tpu.memory_space<vmem_shared>>
        %dma_start3A_381 = arith.constant 0 : i32
        %dma_start3A_382 = arith.constant 0 : i32
        %dma_start3A_383 = tpu.memref_slice %arg4[%dma_start3A_381, %dma_start3A_382] : memref<624x128xf32, #tpu.memory_space<hbm>> -> memref<16x128xf32, #tpu.memory_space<hbm>>
        tpu.enqueue_dma source(%dma_start3A_383 : memref<16x128xf32, #tpu.memory_space<hbm>>) target(%dma_start3A_380 : memref<16x128xf32, #tpu.memory_space<vmem_shared>>) target_semaphore(%run_scoped3A_377 : memref<!tpu.dma_semaphore, #tpu.memory_space<semaphore_mem>>)
        %dma_wait3A_384 = arith.constant 9984 : i32
        %dma_wait3A_385 = arith.constant 0 : i32
        %dma_wait3A_386 = tpu.memref_slice %arg8[%dma_wait3A_384, %dma_wait3A_385] : memref<10008x128xf32, #tpu.memory_space<vmem_shared>> -> memref<16x128xf32, #tpu.memory_space<vmem_shared>>
        %dma_wait3A_387 = arith.constant 0 : i32
        %dma_wait3A_388 = arith.constant 0 : i32
        %dma_wait3A_389 = tpu.memref_slice %arg4[%dma_wait3A_387, %dma_wait3A_388] : memref<624x128xf32, #tpu.memory_space<hbm>> -> memref<16x128xf32, #tpu.memory_space<hbm>>
        tpu.wait_dma2 semaphore(%run_scoped3A_377 : memref<!tpu.dma_semaphore, #tpu.memory_space<semaphore_mem>>) src(%dma_wait3A_389 : memref<16x128xf32, #tpu.memory_space<hbm>>) dst(%dma_wait3A_386 : memref<16x128xf32, #tpu.memory_space<vmem_shared>>)
        tpu.yield
      }) : () -> ()
    } else {
    }
    %barrier3A = arith.constant 0 : index
    tpu.barrier barrier_id(%barrier3A)
    %scan3A = arith.constant 0 : i32
    %scan3A_150 = arith.constant 0 : i32
    %scan3A_151 = arith.constant 25 : i32
    %scan3A_152 = arith.addi %scan3A_150, %scan3A_151 : i32
    %scan3A_153 = arith.constant 1 : i32
    scf.for %scan3A_377 = %scan3A_150 to %scan3A_152 step %scan3A_153  : i32 {
      %mul3A_378 = arith.constant 6 : i32
      %mul3A_379 = arith.muli %mul3A_378, %scan3A_377 : i32
      %dma_wait3A_380 = arith.constant 0 : i32
      %dma_wait3A_381 = arith.constant 0 : i32
      %dma_wait3A_382 = arith.constant 0 : i32
      %dma_wait3A_383 = tpu.memref_slice %arg6[%dma_wait3A_380, %dma_wait3A_381, %dma_wait3A_382] : memref<6x64x128xf32, #tpu.memory_space<vmem>> -> memref<1x64x128xf32, #tpu.memory_space<vmem>>
      %dma_wait3A_384 = tpu.memref_squeeze %dma_wait3A_383 : memref<1x64x128xf32, #tpu.memory_space<vmem>> -> memref<64x128xf32, #tpu.memory_space<vmem>>
      %dma_wait3A_385 = arith.constant 0 : i32
      %dma_wait3A_386 = tpu.memref_slice %arg2[%mul3A_2, %dma_wait3A_385] : memref<320000x128xf32, #tpu.memory_space<hbm>> -> memref<64x128xf32, #tpu.memory_space<hbm>>
      %dma_wait3A_387 = arith.constant 0 : i32
      %dma_wait3A_388 = arith.constant 0 : i32
      %dma_wait3A_389 = tpu.memref_slice %arg6[%dma_wait3A_380, %dma_wait3A_387, %dma_wait3A_388] : memref<6x64x128xf32, #tpu.memory_space<vmem>> -> memref<1x64x128xf32, #tpu.memory_space<vmem>>
      %dma_wait3A_390 = tpu.memref_squeeze %dma_wait3A_389 : memref<1x64x128xf32, #tpu.memory_space<vmem>> -> memref<64x128xf32, #tpu.memory_space<vmem>>
      %dma_wait3A_391 = arith.constant 0 : i32
      %dma_wait3A_392 = tpu.memref_slice %arg2[%mul3A_2, %dma_wait3A_391] : memref<320000x128xf32, #tpu.memory_space<hbm>> -> memref<64x128xf32, #tpu.memory_space<hbm>>
      tpu.wait_dma2 semaphore(%arg9 : memref<!tpu.dma_semaphore, #tpu.memory_space<semaphore_mem>>) src(%dma_wait3A_392 : memref<64x128xf32, #tpu.memory_space<hbm>>) dst(%dma_wait3A_390 : memref<64x128xf32, #tpu.memory_space<vmem>>)
      %dma_wait3A_393 = arith.constant 0 : i32
      %dma_wait3A_394 = arith.constant 0 : i32
      %dma_wait3A_395 = tpu.memref_slice %arg7[%dma_wait3A_393, %dma_wait3A_394] : memref<6x64xi32, #tpu.memory_space<vmem>> -> memref<1x64xi32, #tpu.memory_space<vmem>>
      %dma_wait3A_396 = tpu.memref_squeeze %dma_wait3A_395 : memref<1x64xi32, #tpu.memory_space<vmem>> -> memref<64xi32, #tpu.memory_space<vmem>>
      %dma_wait3A_397 = tpu.memref_slice %arg3[%mul3A_2] : memref<320000xi32, #tpu.memory_space<hbm>> -> memref<64xi32, #tpu.memory_space<hbm>>
      %dma_wait3A_398 = arith.constant 0 : i32
      %dma_wait3A_399 = tpu.memref_slice %arg7[%dma_wait3A_393, %dma_wait3A_398] : memref<6x64xi32, #tpu.memory_space<vmem>> -> memref<1x64xi32, #tpu.memory_space<vmem>>
      %dma_wait3A_400 = tpu.memref_squeeze %dma_wait3A_399 : memref<1x64xi32, #tpu.memory_space<vmem>> -> memref<64xi32, #tpu.memory_space<vmem>>
      %dma_wait3A_401 = tpu.memref_slice %arg3[%mul3A_2] : memref<320000xi32, #tpu.memory_space<hbm>> -> memref<64xi32, #tpu.memory_space<hbm>>
      tpu.wait_dma2 semaphore(%arg15 : memref<!tpu.dma_semaphore, #tpu.memory_space<semaphore_mem>>) src(%dma_wait3A_401 : memref<64xi32, #tpu.memory_space<hbm>>) dst(%dma_wait3A_400 : memref<64xi32, #tpu.memory_space<vmem>>)
      %run_scoped3A_402 = arith.constant 0 : i32
      %run_scoped3A_403 = arith.constant 0 : i32
      "tpu.region"() ({
        %run_scoped3A_698 = tpu.sem_alloc : memref<!tpu.dma_semaphore, #tpu.memory_space<semaphore_mem>>
        %dma_start3A_699 = arith.constant 0 : i32
        %dma_start3A_700 = arith.constant 0 : i32
        %dma_start3A_701 = tpu.memref_slice %arg6[%run_scoped3A_402, %dma_start3A_699, %dma_start3A_700] : memref<6x64x128xf32, #tpu.memory_space<vmem>> -> memref<1x64x128xf32, #tpu.memory_space<vmem>>
        %dma_start3A_702 = tpu.memref_squeeze %dma_start3A_701 : memref<1x64x128xf32, #tpu.memory_space<vmem>> -> memref<64x128xf32, #tpu.memory_space<vmem>>
        %dma_start3A_703 = arith.constant 0 : i32
        %dma_start3A_704 = tpu.memref_slice %arg7[%run_scoped3A_403, %dma_start3A_703] : memref<6x64xi32, #tpu.memory_space<vmem>> -> memref<1x64xi32, #tpu.memory_space<vmem>>
        %dma_start3A_705 = tpu.memref_squeeze %dma_start3A_704 : memref<1x64xi32, #tpu.memory_space<vmem>> -> memref<64xi32, #tpu.memory_space<vmem>>
        %dma_start3A_706 = arith.constant 0 : i32
        %dma_start3A_707 = arith.constant 0 : i32
        %dma_start3A_708 = tpu.memref_slice %arg8[%dma_start3A_706, %dma_start3A_707] : memref<10008x128xf32, #tpu.memory_space<vmem_shared>> -> memref<10008x128xf32, #tpu.memory_space<vmem_shared>>
        tpu.enqueue_indirect_dma source(%dma_start3A_702 : memref<64x128xf32, #tpu.memory_space<vmem>>) target(%dma_start3A_708 : memref<10008x128xf32, #tpu.memory_space<vmem_shared>>) offsets(%dma_start3A_705 : memref<64xi32, #tpu.memory_space<vmem>>) semaphore(%run_scoped3A_698 : memref<!tpu.dma_semaphore, #tpu.memory_space<semaphore_mem>>) {add = true}
        %dma_wait3A_709 = arith.constant 0 : i32
        %dma_wait3A_710 = arith.constant 0 : i32
        %dma_wait3A_711 = tpu.memref_slice %arg6[%run_scoped3A_402, %dma_wait3A_709, %dma_wait3A_710] : memref<6x64x128xf32, #tpu.memory_space<vmem>> -> memref<1x64x128xf32, #tpu.memory_space<vmem>>
        %dma_wait3A_712 = tpu.memref_squeeze %dma_wait3A_711 : memref<1x64x128xf32, #tpu.memory_space<vmem>> -> memref<64x128xf32, #tpu.memory_space<vmem>>
        %dma_wait3A_713 = arith.constant 0 : i32
        %dma_wait3A_714 = tpu.memref_slice %arg7[%run_scoped3A_403, %dma_wait3A_713] : memref<6x64xi32, #tpu.memory_space<vmem>> -> memref<1x64xi32, #tpu.memory_space<vmem>>
        %dma_wait3A_715 = tpu.memref_squeeze %dma_wait3A_714 : memref<1x64xi32, #tpu.memory_space<vmem>> -> memref<64xi32, #tpu.memory_space<vmem>>
        %dma_wait3A_716 = arith.constant 0 : i32
        %dma_wait3A_717 = arith.constant 0 : i32
        %dma_wait3A_718 = tpu.memref_slice %arg8[%dma_wait3A_716, %dma_wait3A_717] : memref<10008x128xf32, #tpu.memory_space<vmem_shared>> -> memref<10008x128xf32, #tpu.memory_space<vmem_shared>>
        tpu.wait_indirect_dma semaphore(%run_scoped3A_698 : memref<!tpu.dma_semaphore, #tpu.memory_space<semaphore_mem>>) src(%dma_wait3A_712 : memref<64x128xf32, #tpu.memory_space<vmem>>) dst(%dma_wait3A_718 : memref<10008x128xf32, #tpu.memory_space<vmem_shared>>)
        tpu.yield
      }) : () -> ()
      %add3A_404 = arith.constant 0 : i32
      %add3A_405 = arith.addi %mul3A_379, %add3A_404 : i32
      %add3A_406 = arith.constant 6 : i32
      %add3A_407 = arith.addi %add3A_405, %add3A_406 : i32
      %mul3A_408 = arith.constant 64 : i32
      %mul3A_409 = arith.muli %add3A_407, %mul3A_408 : i32
      %add3A_410 = arith.addi %mul3A_2, %mul3A_409 : i32
      %dma_start3A_411 = arith.constant 0 : i32
      %dma_start3A_412 = arith.constant 0 : i32
      %dma_start3A_413 = arith.constant 0 : i32
      %dma_start3A_414 = tpu.memref_slice %arg6[%dma_start3A_411, %dma_start3A_412, %dma_start3A_413] : memref<6x64x128xf32, #tpu.memory_space<vmem>> -> memref<1x64x128xf32, #tpu.memory_space<vmem>>
      %dma_start3A_415 = tpu.memref_squeeze %dma_start3A_414 : memref<1x64x128xf32, #tpu.memory_space<vmem>> -> memref<64x128xf32, #tpu.memory_space<vmem>>
      %dma_start3A_416 = arith.constant 0 : i32
      %dma_start3A_417 = tpu.memref_slice %arg2[%add3A_410, %dma_start3A_416] : memref<320000x128xf32, #tpu.memory_space<hbm>> -> memref<64x128xf32, #tpu.memory_space<hbm>>
      %dma_start3A_418 = arith.constant 0 : i32
      %dma_start3A_419 = arith.constant 0 : i32
      %dma_start3A_420 = tpu.memref_slice %arg6[%dma_start3A_411, %dma_start3A_418, %dma_start3A_419] : memref<6x64x128xf32, #tpu.memory_space<vmem>> -> memref<1x64x128xf32, #tpu.memory_space<vmem>>
      %dma_start3A_421 = tpu.memref_squeeze %dma_start3A_420 : memref<1x64x128xf32, #tpu.memory_space<vmem>> -> memref<64x128xf32, #tpu.memory_space<vmem>>
      %dma_start3A_422 = arith.constant 0 : i32
      %dma_start3A_423 = tpu.memref_slice %arg2[%add3A_410, %dma_start3A_422] : memref<320000x128xf32, #tpu.memory_space<hbm>> -> memref<64x128xf32, #tpu.memory_space<hbm>>
      tpu.enqueue_dma source(%dma_start3A_423 : memref<64x128xf32, #tpu.memory_space<hbm>>) target(%dma_start3A_421 : memref<64x128xf32, #tpu.memory_space<vmem>>) target_semaphore(%arg9 : memref<!tpu.dma_semaphore, #tpu.memory_space<semaphore_mem>>)
      %dma_start3A_424 = arith.constant 0 : i32
      %dma_start3A_425 = arith.constant 0 : i32
      %dma_start3A_426 = tpu.memref_slice %arg7[%dma_start3A_424, %dma_start3A_425] : memref<6x64xi32, #tpu.memory_space<vmem>> -> memref<1x64xi32, #tpu.memory_space<vmem>>
      %dma_start3A_427 = tpu.memref_squeeze %dma_start3A_426 : memref<1x64xi32, #tpu.memory_space<vmem>> -> memref<64xi32, #tpu.memory_space<vmem>>
      %dma_start3A_428 = tpu.memref_slice %arg3[%add3A_410] : memref<320000xi32, #tpu.memory_space<hbm>> -> memref<64xi32, #tpu.memory_space<hbm>>
      %dma_start3A_429 = arith.constant 0 : i32
      %dma_start3A_430 = tpu.memref_slice %arg7[%dma_start3A_424, %dma_start3A_429] : memref<6x64xi32, #tpu.memory_space<vmem>> -> memref<1x64xi32, #tpu.memory_space<vmem>>
      %dma_start3A_431 = tpu.memref_squeeze %dma_start3A_430 : memref<1x64xi32, #tpu.memory_space<vmem>> -> memref<64xi32, #tpu.memory_space<vmem>>
      %dma_start3A_432 = tpu.memref_slice %arg3[%add3A_410] : memref<320000xi32, #tpu.memory_space<hbm>> -> memref<64xi32, #tpu.memory_space<hbm>>
      tpu.enqueue_dma source(%dma_start3A_432 : memref<64xi32, #tpu.memory_space<hbm>>) target(%dma_start3A_431 : memref<64xi32, #tpu.memory_space<vmem>>) target_semaphore(%arg15 : memref<!tpu.dma_semaphore, #tpu.memory_space<semaphore_mem>>)
      %dma_wait3A_433 = arith.constant 1 : i32
      %dma_wait3A_434 = arith.constant 0 : i32
      %dma_wait3A_435 = arith.constant 0 : i32
      %dma_wait3A_436 = tpu.memref_slice %arg6[%dma_wait3A_433, %dma_wait3A_434, %dma_wait3A_435] : memref<6x64x128xf32, #tpu.memory_space<vmem>> -> memref<1x64x128xf32, #tpu.memory_space<vmem>>
      %dma_wait3A_437 = tpu.memref_squeeze %dma_wait3A_436 : memref<1x64x128xf32, #tpu.memory_space<vmem>> -> memref<64x128xf32, #tpu.memory_space<vmem>>
      %dma_wait3A_438 = arith.constant 0 : i32
      %dma_wait3A_439 = tpu.memref_slice %arg2[%mul3A_2, %dma_wait3A_438] : memref<320000x128xf32, #tpu.memory_space<hbm>> -> memref<64x128xf32, #tpu.memory_space<hbm>>
      %dma_wait3A_440 = arith.constant 0 : i32
      %dma_wait3A_441 = arith.constant 0 : i32
      %dma_wait3A_442 = tpu.memref_slice %arg6[%dma_wait3A_433, %dma_wait3A_440, %dma_wait3A_441] : memref<6x64x128xf32, #tpu.memory_space<vmem>> -> memref<1x64x128xf32, #tpu.memory_space<vmem>>
      %dma_wait3A_443 = tpu.memref_squeeze %dma_wait3A_442 : memref<1x64x128xf32, #tpu.memory_space<vmem>> -> memref<64x128xf32, #tpu.memory_space<vmem>>
      %dma_wait3A_444 = arith.constant 0 : i32
      %dma_wait3A_445 = tpu.memref_slice %arg2[%mul3A_2, %dma_wait3A_444] : memref<320000x128xf32, #tpu.memory_space<hbm>> -> memref<64x128xf32, #tpu.memory_space<hbm>>
      tpu.wait_dma2 semaphore(%arg10 : memref<!tpu.dma_semaphore, #tpu.memory_space<semaphore_mem>>) src(%dma_wait3A_445 : memref<64x128xf32, #tpu.memory_space<hbm>>) dst(%dma_wait3A_443 : memref<64x128xf32, #tpu.memory_space<vmem>>)
      %dma_wait3A_446 = arith.constant 1 : i32
      %dma_wait3A_447 = arith.constant 0 : i32
      %dma_wait3A_448 = tpu.memref_slice %arg7[%dma_wait3A_446, %dma_wait3A_447] : memref<6x64xi32, #tpu.memory_space<vmem>> -> memref<1x64xi32, #tpu.memory_space<vmem>>
      %dma_wait3A_449 = tpu.memref_squeeze %dma_wait3A_448 : memref<1x64xi32, #tpu.memory_space<vmem>> -> memref<64xi32, #tpu.memory_space<vmem>>
      %dma_wait3A_450 = tpu.memref_slice %arg3[%mul3A_2] : memref<320000xi32, #tpu.memory_space<hbm>> -> memref<64xi32, #tpu.memory_space<hbm>>
      %dma_wait3A_451 = arith.constant 0 : i32
      %dma_wait3A_452 = tpu.memref_slice %arg7[%dma_wait3A_446, %dma_wait3A_451] : memref<6x64xi32, #tpu.memory_space<vmem>> -> memref<1x64xi32, #tpu.memory_space<vmem>>
      %dma_wait3A_453 = tpu.memref_squeeze %dma_wait3A_452 : memref<1x64xi32, #tpu.memory_space<vmem>> -> memref<64xi32, #tpu.memory_space<vmem>>
      %dma_wait3A_454 = tpu.memref_slice %arg3[%mul3A_2] : memref<320000xi32, #tpu.memory_space<hbm>> -> memref<64xi32, #tpu.memory_space<hbm>>
      tpu.wait_dma2 semaphore(%arg16 : memref<!tpu.dma_semaphore, #tpu.memory_space<semaphore_mem>>) src(%dma_wait3A_454 : memref<64xi32, #tpu.memory_space<hbm>>) dst(%dma_wait3A_453 : memref<64xi32, #tpu.memory_space<vmem>>)
      %run_scoped3A_455 = arith.constant 1 : i32
      %run_scoped3A_456 = arith.constant 1 : i32
      "tpu.region"() ({
        %run_scoped3A_698 = tpu.sem_alloc : memref<!tpu.dma_semaphore, #tpu.memory_space<semaphore_mem>>
        %dma_start3A_699 = arith.constant 0 : i32
        %dma_start3A_700 = arith.constant 0 : i32
        %dma_start3A_701 = tpu.memref_slice %arg6[%run_scoped3A_455, %dma_start3A_699, %dma_start3A_700] : memref<6x64x128xf32, #tpu.memory_space<vmem>> -> memref<1x64x128xf32, #tpu.memory_space<vmem>>
        %dma_start3A_702 = tpu.memref_squeeze %dma_start3A_701 : memref<1x64x128xf32, #tpu.memory_space<vmem>> -> memref<64x128xf32, #tpu.memory_space<vmem>>
        %dma_start3A_703 = arith.constant 0 : i32
        %dma_start3A_704 = tpu.memref_slice %arg7[%run_scoped3A_456, %dma_start3A_703] : memref<6x64xi32, #tpu.memory_space<vmem>> -> memref<1x64xi32, #tpu.memory_space<vmem>>
        %dma_start3A_705 = tpu.memref_squeeze %dma_start3A_704 : memref<1x64xi32, #tpu.memory_space<vmem>> -> memref<64xi32, #tpu.memory_space<vmem>>
        %dma_start3A_706 = arith.constant 0 : i32
        %dma_start3A_707 = arith.constant 0 : i32
        %dma_start3A_708 = tpu.memref_slice %arg8[%dma_start3A_706, %dma_start3A_707] : memref<10008x128xf32, #tpu.memory_space<vmem_shared>> -> memref<10008x128xf32, #tpu.memory_space<vmem_shared>>
        tpu.enqueue_indirect_dma source(%dma_start3A_702 : memref<64x128xf32, #tpu.memory_space<vmem>>) target(%dma_start3A_708 : memref<10008x128xf32, #tpu.memory_space<vmem_shared>>) offsets(%dma_start3A_705 : memref<64xi32, #tpu.memory_space<vmem>>) semaphore(%run_scoped3A_698 : memref<!tpu.dma_semaphore, #tpu.memory_space<semaphore_mem>>) {add = true}
        %dma_wait3A_709 = arith.constant 0 : i32
        %dma_wait3A_710 = arith.constant 0 : i32
        %dma_wait3A_711 = tpu.memref_slice %arg6[%run_scoped3A_455, %dma_wait3A_709, %dma_wait3A_710] : memref<6x64x128xf32, #tpu.memory_space<vmem>> -> memref<1x64x128xf32, #tpu.memory_space<vmem>>
        %dma_wait3A_712 = tpu.memref_squeeze %dma_wait3A_711 : memref<1x64x128xf32, #tpu.memory_space<vmem>> -> memref<64x128xf32, #tpu.memory_space<vmem>>
        %dma_wait3A_713 = arith.constant 0 : i32
        %dma_wait3A_714 = tpu.memref_slice %arg7[%run_scoped3A_456, %dma_wait3A_713] : memref<6x64xi32, #tpu.memory_space<vmem>> -> memref<1x64xi32, #tpu.memory_space<vmem>>
        %dma_wait3A_715 = tpu.memref_squeeze %dma_wait3A_714 : memref<1x64xi32, #tpu.memory_space<vmem>> -> memref<64xi32, #tpu.memory_space<vmem>>
        %dma_wait3A_716 = arith.constant 0 : i32
        %dma_wait3A_717 = arith.constant 0 : i32
        %dma_wait3A_718 = tpu.memref_slice %arg8[%dma_wait3A_716, %dma_wait3A_717] : memref<10008x128xf32, #tpu.memory_space<vmem_shared>> -> memref<10008x128xf32, #tpu.memory_space<vmem_shared>>
        tpu.wait_indirect_dma semaphore(%run_scoped3A_698 : memref<!tpu.dma_semaphore, #tpu.memory_space<semaphore_mem>>) src(%dma_wait3A_712 : memref<64x128xf32, #tpu.memory_space<vmem>>) dst(%dma_wait3A_718 : memref<10008x128xf32, #tpu.memory_space<vmem_shared>>)
        tpu.yield
      }) : () -> ()
      %add3A_457 = arith.constant 1 : i32
      %add3A_458 = arith.addi %mul3A_379, %add3A_457 : i32
      %add3A_459 = arith.constant 6 : i32
      %add3A_460 = arith.addi %add3A_458, %add3A_459 : i32
      %mul3A_461 = arith.constant 64 : i32
      %mul3A_462 = arith.muli %add3A_460, %mul3A_461 : i32
      %add3A_463 = arith.addi %mul3A_2, %mul3A_462 : i32
      %dma_start3A_464 = arith.constant 1 : i32
      %dma_start3A_465 = arith.constant 0 : i32
      %dma_start3A_466 = arith.constant 0 : i32
      %dma_start3A_467 = tpu.memref_slice %arg6[%dma_start3A_464, %dma_start3A_465, %dma_start3A_466] : memref<6x64x128xf32, #tpu.memory_space<vmem>> -> memref<1x64x128xf32, #tpu.memory_space<vmem>>
      %dma_start3A_468 = tpu.memref_squeeze %dma_start3A_467 : memref<1x64x128xf32, #tpu.memory_space<vmem>> -> memref<64x128xf32, #tpu.memory_space<vmem>>
      %dma_start3A_469 = arith.constant 0 : i32
      %dma_start3A_470 = tpu.memref_slice %arg2[%add3A_463, %dma_start3A_469] : memref<320000x128xf32, #tpu.memory_space<hbm>> -> memref<64x128xf32, #tpu.memory_space<hbm>>
      %dma_start3A_471 = arith.constant 0 : i32
      %dma_start3A_472 = arith.constant 0 : i32
      %dma_start3A_473 = tpu.memref_slice %arg6[%dma_start3A_464, %dma_start3A_471, %dma_start3A_472] : memref<6x64x128xf32, #tpu.memory_space<vmem>> -> memref<1x64x128xf32, #tpu.memory_space<vmem>>
      %dma_start3A_474 = tpu.memref_squeeze %dma_start3A_473 : memref<1x64x128xf32, #tpu.memory_space<vmem>> -> memref<64x128xf32, #tpu.memory_space<vmem>>
      %dma_start3A_475 = arith.constant 0 : i32
      %dma_start3A_476 = tpu.memref_slice %arg2[%add3A_463, %dma_start3A_475] : memref<320000x128xf32, #tpu.memory_space<hbm>> -> memref<64x128xf32, #tpu.memory_space<hbm>>
      tpu.enqueue_dma source(%dma_start3A_476 : memref<64x128xf32, #tpu.memory_space<hbm>>) target(%dma_start3A_474 : memref<64x128xf32, #tpu.memory_space<vmem>>) target_semaphore(%arg10 : memref<!tpu.dma_semaphore, #tpu.memory_space<semaphore_mem>>)
      %dma_start3A_477 = arith.constant 1 : i32
      %dma_start3A_478 = arith.constant 0 : i32
      %dma_start3A_479 = tpu.memref_slice %arg7[%dma_start3A_477, %dma_start3A_478] : memref<6x64xi32, #tpu.memory_space<vmem>> -> memref<1x64xi32, #tpu.memory_space<vmem>>
      %dma_start3A_480 = tpu.memref_squeeze %dma_start3A_479 : memref<1x64xi32, #tpu.memory_space<vmem>> -> memref<64xi32, #tpu.memory_space<vmem>>
      %dma_start3A_481 = tpu.memref_slice %arg3[%add3A_463] : memref<320000xi32, #tpu.memory_space<hbm>> -> memref<64xi32, #tpu.memory_space<hbm>>
      %dma_start3A_482 = arith.constant 0 : i32
      %dma_start3A_483 = tpu.memref_slice %arg7[%dma_start3A_477, %dma_start3A_482] : memref<6x64xi32, #tpu.memory_space<vmem>> -> memref<1x64xi32, #tpu.memory_space<vmem>>
      %dma_start3A_484 = tpu.memref_squeeze %dma_start3A_483 : memref<1x64xi32, #tpu.memory_space<vmem>> -> memref<64xi32, #tpu.memory_space<vmem>>
      %dma_start3A_485 = tpu.memref_slice %arg3[%add3A_463] : memref<320000xi32, #tpu.memory_space<hbm>> -> memref<64xi32, #tpu.memory_space<hbm>>
      tpu.enqueue_dma source(%dma_start3A_485 : memref<64xi32, #tpu.memory_space<hbm>>) target(%dma_start3A_484 : memref<64xi32, #tpu.memory_space<vmem>>) target_semaphore(%arg16 : memref<!tpu.dma_semaphore, #tpu.memory_space<semaphore_mem>>)
      %dma_wait3A_486 = arith.constant 2 : i32
      %dma_wait3A_487 = arith.constant 0 : i32
      %dma_wait3A_488 = arith.constant 0 : i32
      %dma_wait3A_489 = tpu.memref_slice %arg6[%dma_wait3A_486, %dma_wait3A_487, %dma_wait3A_488] : memref<6x64x128xf32, #tpu.memory_space<vmem>> -> memref<1x64x128xf32, #tpu.memory_space<vmem>>
      %dma_wait3A_490 = tpu.memref_squeeze %dma_wait3A_489 : memref<1x64x128xf32, #tpu.memory_space<vmem>> -> memref<64x128xf32, #tpu.memory_space<vmem>>
      %dma_wait3A_491 = arith.constant 0 : i32
      %dma_wait3A_492 = tpu.memref_slice %arg2[%mul3A_2, %dma_wait3A_491] : memref<320000x128xf32, #tpu.memory_space<hbm>> -> memref<64x128xf32, #tpu.memory_space<hbm>>
      %dma_wait3A_493 = arith.constant 0 : i32
      %dma_wait3A_494 = arith.constant 0 : i32
      %dma_wait3A_495 = tpu.memref_slice %arg6[%dma_wait3A_486, %dma_wait3A_493, %dma_wait3A_494] : memref<6x64x128xf32, #tpu.memory_space<vmem>> -> memref<1x64x128xf32, #tpu.memory_space<vmem>>
      %dma_wait3A_496 = tpu.memref_squeeze %dma_wait3A_495 : memref<1x64x128xf32, #tpu.memory_space<vmem>> -> memref<64x128xf32, #tpu.memory_space<vmem>>
      %dma_wait3A_497 = arith.constant 0 : i32
      %dma_wait3A_498 = tpu.memref_slice %arg2[%mul3A_2, %dma_wait3A_497] : memref<320000x128xf32, #tpu.memory_space<hbm>> -> memref<64x128xf32, #tpu.memory_space<hbm>>
      tpu.wait_dma2 semaphore(%arg11 : memref<!tpu.dma_semaphore, #tpu.memory_space<semaphore_mem>>) src(%dma_wait3A_498 : memref<64x128xf32, #tpu.memory_space<hbm>>) dst(%dma_wait3A_496 : memref<64x128xf32, #tpu.memory_space<vmem>>)
      %dma_wait3A_499 = arith.constant 2 : i32
      %dma_wait3A_500 = arith.constant 0 : i32
      %dma_wait3A_501 = tpu.memref_slice %arg7[%dma_wait3A_499, %dma_wait3A_500] : memref<6x64xi32, #tpu.memory_space<vmem>> -> memref<1x64xi32, #tpu.memory_space<vmem>>
      %dma_wait3A_502 = tpu.memref_squeeze %dma_wait3A_501 : memref<1x64xi32, #tpu.memory_space<vmem>> -> memref<64xi32, #tpu.memory_space<vmem>>
      %dma_wait3A_503 = tpu.memref_slice %arg3[%mul3A_2] : memref<320000xi32, #tpu.memory_space<hbm>> -> memref<64xi32, #tpu.memory_space<hbm>>
      %dma_wait3A_504 = arith.constant 0 : i32
      %dma_wait3A_505 = tpu.memref_slice %arg7[%dma_wait3A_499, %dma_wait3A_504] : memref<6x64xi32, #tpu.memory_space<vmem>> -> memref<1x64xi32, #tpu.memory_space<vmem>>
      %dma_wait3A_506 = tpu.memref_squeeze %dma_wait3A_505 : memref<1x64xi32, #tpu.memory_space<vmem>> -> memref<64xi32, #tpu.memory_space<vmem>>
      %dma_wait3A_507 = tpu.memref_slice %arg3[%mul3A_2] : memref<320000xi32, #tpu.memory_space<hbm>> -> memref<64xi32, #tpu.memory_space<hbm>>
      tpu.wait_dma2 semaphore(%arg17 : memref<!tpu.dma_semaphore, #tpu.memory_space<semaphore_mem>>) src(%dma_wait3A_507 : memref<64xi32, #tpu.memory_space<hbm>>) dst(%dma_wait3A_506 : memref<64xi32, #tpu.memory_space<vmem>>)
      %run_scoped3A_508 = arith.constant 2 : i32
      %run_scoped3A_509 = arith.constant 2 : i32
      "tpu.region"() ({
        %run_scoped3A_698 = tpu.sem_alloc : memref<!tpu.dma_semaphore, #tpu.memory_space<semaphore_mem>>
        %dma_start3A_699 = arith.constant 0 : i32
        %dma_start3A_700 = arith.constant 0 : i32
        %dma_start3A_701 = tpu.memref_slice %arg6[%run_scoped3A_508, %dma_start3A_699, %dma_start3A_700] : memref<6x64x128xf32, #tpu.memory_space<vmem>> -> memref<1x64x128xf32, #tpu.memory_space<vmem>>
        %dma_start3A_702 = tpu.memref_squeeze %dma_start3A_701 : memref<1x64x128xf32, #tpu.memory_space<vmem>> -> memref<64x128xf32, #tpu.memory_space<vmem>>
        %dma_start3A_703 = arith.constant 0 : i32
        %dma_start3A_704 = tpu.memref_slice %arg7[%run_scoped3A_509, %dma_start3A_703] : memref<6x64xi32, #tpu.memory_space<vmem>> -> memref<1x64xi32, #tpu.memory_space<vmem>>
        %dma_start3A_705 = tpu.memref_squeeze %dma_start3A_704 : memref<1x64xi32, #tpu.memory_space<vmem>> -> memref<64xi32, #tpu.memory_space<vmem>>
        %dma_start3A_706 = arith.constant 0 : i32
        %dma_start3A_707 = arith.constant 0 : i32
        %dma_start3A_708 = tpu.memref_slice %arg8[%dma_start3A_706, %dma_start3A_707] : memref<10008x128xf32, #tpu.memory_space<vmem_shared>> -> memref<10008x128xf32, #tpu.memory_space<vmem_shared>>
        tpu.enqueue_indirect_dma source(%dma_start3A_702 : memref<64x128xf32, #tpu.memory_space<vmem>>) target(%dma_start3A_708 : memref<10008x128xf32, #tpu.memory_space<vmem_shared>>) offsets(%dma_start3A_705 : memref<64xi32, #tpu.memory_space<vmem>>) semaphore(%run_scoped3A_698 : memref<!tpu.dma_semaphore, #tpu.memory_space<semaphore_mem>>) {add = true}
        %dma_wait3A_709 = arith.constant 0 : i32
        %dma_wait3A_710 = arith.constant 0 : i32
        %dma_wait3A_711 = tpu.memref_slice %arg6[%run_scoped3A_508, %dma_wait3A_709, %dma_wait3A_710] : memref<6x64x128xf32, #tpu.memory_space<vmem>> -> memref<1x64x128xf32, #tpu.memory_space<vmem>>
        %dma_wait3A_712 = tpu.memref_squeeze %dma_wait3A_711 : memref<1x64x128xf32, #tpu.memory_space<vmem>> -> memref<64x128xf32, #tpu.memory_space<vmem>>
        %dma_wait3A_713 = arith.constant 0 : i32
        %dma_wait3A_714 = tpu.memref_slice %arg7[%run_scoped3A_509, %dma_wait3A_713] : memref<6x64xi32, #tpu.memory_space<vmem>> -> memref<1x64xi32, #tpu.memory_space<vmem>>
        %dma_wait3A_715 = tpu.memref_squeeze %dma_wait3A_714 : memref<1x64xi32, #tpu.memory_space<vmem>> -> memref<64xi32, #tpu.memory_space<vmem>>
        %dma_wait3A_716 = arith.constant 0 : i32
        %dma_wait3A_717 = arith.constant 0 : i32
        %dma_wait3A_718 = tpu.memref_slice %arg8[%dma_wait3A_716, %dma_wait3A_717] : memref<10008x128xf32, #tpu.memory_space<vmem_shared>> -> memref<10008x128xf32, #tpu.memory_space<vmem_shared>>
        tpu.wait_indirect_dma semaphore(%run_scoped3A_698 : memref<!tpu.dma_semaphore, #tpu.memory_space<semaphore_mem>>) src(%dma_wait3A_712 : memref<64x128xf32, #tpu.memory_space<vmem>>) dst(%dma_wait3A_718 : memref<10008x128xf32, #tpu.memory_space<vmem_shared>>)
        tpu.yield
      }) : () -> ()
      %add3A_510 = arith.constant 2 : i32
      %add3A_511 = arith.addi %mul3A_379, %add3A_510 : i32
      %add3A_512 = arith.constant 6 : i32
      %add3A_513 = arith.addi %add3A_511, %add3A_512 : i32
      %mul3A_514 = arith.constant 64 : i32
      %mul3A_515 = arith.muli %add3A_513, %mul3A_514 : i32
      %add3A_516 = arith.addi %mul3A_2, %mul3A_515 : i32
      %dma_start3A_517 = arith.constant 2 : i32
      %dma_start3A_518 = arith.constant 0 : i32
      %dma_start3A_519 = arith.constant 0 : i32
      %dma_start3A_520 = tpu.memref_slice %arg6[%dma_start3A_517, %dma_start3A_518, %dma_start3A_519] : memref<6x64x128xf32, #tpu.memory_space<vmem>> -> memref<1x64x128xf32, #tpu.memory_space<vmem>>
      %dma_start3A_521 = tpu.memref_squeeze %dma_start3A_520 : memref<1x64x128xf32, #tpu.memory_space<vmem>> -> memref<64x128xf32, #tpu.memory_space<vmem>>
      %dma_start3A_522 = arith.constant 0 : i32
      %dma_start3A_523 = tpu.memref_slice %arg2[%add3A_516, %dma_start3A_522] : memref<320000x128xf32, #tpu.memory_space<hbm>> -> memref<64x128xf32, #tpu.memory_space<hbm>>
      %dma_start3A_524 = arith.constant 0 : i32
      %dma_start3A_525 = arith.constant 0 : i32
      %dma_start3A_526 = tpu.memref_slice %arg6[%dma_start3A_517, %dma_start3A_524, %dma_start3A_525] : memref<6x64x128xf32, #tpu.memory_space<vmem>> -> memref<1x64x128xf32, #tpu.memory_space<vmem>>
      %dma_start3A_527 = tpu.memref_squeeze %dma_start3A_526 : memref<1x64x128xf32, #tpu.memory_space<vmem>> -> memref<64x128xf32, #tpu.memory_space<vmem>>
      %dma_start3A_528 = arith.constant 0 : i32
      %dma_start3A_529 = tpu.memref_slice %arg2[%add3A_516, %dma_start3A_528] : memref<320000x128xf32, #tpu.memory_space<hbm>> -> memref<64x128xf32, #tpu.memory_space<hbm>>
      tpu.enqueue_dma source(%dma_start3A_529 : memref<64x128xf32, #tpu.memory_space<hbm>>) target(%dma_start3A_527 : memref<64x128xf32, #tpu.memory_space<vmem>>) target_semaphore(%arg11 : memref<!tpu.dma_semaphore, #tpu.memory_space<semaphore_mem>>)
      %dma_start3A_530 = arith.constant 2 : i32
      %dma_start3A_531 = arith.constant 0 : i32
      %dma_start3A_532 = tpu.memref_slice %arg7[%dma_start3A_530, %dma_start3A_531] : memref<6x64xi32, #tpu.memory_space<vmem>> -> memref<1x64xi32, #tpu.memory_space<vmem>>
      %dma_start3A_533 = tpu.memref_squeeze %dma_start3A_532 : memref<1x64xi32, #tpu.memory_space<vmem>> -> memref<64xi32, #tpu.memory_space<vmem>>
      %dma_start3A_534 = tpu.memref_slice %arg3[%add3A_516] : memref<320000xi32, #tpu.memory_space<hbm>> -> memref<64xi32, #tpu.memory_space<hbm>>
      %dma_start3A_535 = arith.constant 0 : i32
      %dma_start3A_536 = tpu.memref_slice %arg7[%dma_start3A_530, %dma_start3A_535] : memref<6x64xi32, #tpu.memory_space<vmem>> -> memref<1x64xi32, #tpu.memory_space<vmem>>
      %dma_start3A_537 = tpu.memref_squeeze %dma_start3A_536 : memref<1x64xi32, #tpu.memory_space<vmem>> -> memref<64xi32, #tpu.memory_space<vmem>>
      %dma_start3A_538 = tpu.memref_slice %arg3[%add3A_516] : memref<320000xi32, #tpu.memory_space<hbm>> -> memref<64xi32, #tpu.memory_space<hbm>>
      tpu.enqueue_dma source(%dma_start3A_538 : memref<64xi32, #tpu.memory_space<hbm>>) target(%dma_start3A_537 : memref<64xi32, #tpu.memory_space<vmem>>) target_semaphore(%arg17 : memref<!tpu.dma_semaphore, #tpu.memory_space<semaphore_mem>>)
      %dma_wait3A_539 = arith.constant 3 : i32
      %dma_wait3A_540 = arith.constant 0 : i32
      %dma_wait3A_541 = arith.constant 0 : i32
      %dma_wait3A_542 = tpu.memref_slice %arg6[%dma_wait3A_539, %dma_wait3A_540, %dma_wait3A_541] : memref<6x64x128xf32, #tpu.memory_space<vmem>> -> memref<1x64x128xf32, #tpu.memory_space<vmem>>
      %dma_wait3A_543 = tpu.memref_squeeze %dma_wait3A_542 : memref<1x64x128xf32, #tpu.memory_space<vmem>> -> memref<64x128xf32, #tpu.memory_space<vmem>>
      %dma_wait3A_544 = arith.constant 0 : i32
      %dma_wait3A_545 = tpu.memref_slice %arg2[%mul3A_2, %dma_wait3A_544] : memref<320000x128xf32, #tpu.memory_space<hbm>> -> memref<64x128xf32, #tpu.memory_space<hbm>>
      %dma_wait3A_546 = arith.constant 0 : i32
      %dma_wait3A_547 = arith.constant 0 : i32
      %dma_wait3A_548 = tpu.memref_slice %arg6[%dma_wait3A_539, %dma_wait3A_546, %dma_wait3A_547] : memref<6x64x128xf32, #tpu.memory_space<vmem>> -> memref<1x64x128xf32, #tpu.memory_space<vmem>>
      %dma_wait3A_549 = tpu.memref_squeeze %dma_wait3A_548 : memref<1x64x128xf32, #tpu.memory_space<vmem>> -> memref<64x128xf32, #tpu.memory_space<vmem>>
      %dma_wait3A_550 = arith.constant 0 : i32
      %dma_wait3A_551 = tpu.memref_slice %arg2[%mul3A_2, %dma_wait3A_550] : memref<320000x128xf32, #tpu.memory_space<hbm>> -> memref<64x128xf32, #tpu.memory_space<hbm>>
      tpu.wait_dma2 semaphore(%arg12 : memref<!tpu.dma_semaphore, #tpu.memory_space<semaphore_mem>>) src(%dma_wait3A_551 : memref<64x128xf32, #tpu.memory_space<hbm>>) dst(%dma_wait3A_549 : memref<64x128xf32, #tpu.memory_space<vmem>>)
      %dma_wait3A_552 = arith.constant 3 : i32
      %dma_wait3A_553 = arith.constant 0 : i32
      %dma_wait3A_554 = tpu.memref_slice %arg7[%dma_wait3A_552, %dma_wait3A_553] : memref<6x64xi32, #tpu.memory_space<vmem>> -> memref<1x64xi32, #tpu.memory_space<vmem>>
      %dma_wait3A_555 = tpu.memref_squeeze %dma_wait3A_554 : memref<1x64xi32, #tpu.memory_space<vmem>> -> memref<64xi32, #tpu.memory_space<vmem>>
      %dma_wait3A_556 = tpu.memref_slice %arg3[%mul3A_2] : memref<320000xi32, #tpu.memory_space<hbm>> -> memref<64xi32, #tpu.memory_space<hbm>>
      %dma_wait3A_557 = arith.constant 0 : i32
      %dma_wait3A_558 = tpu.memref_slice %arg7[%dma_wait3A_552, %dma_wait3A_557] : memref<6x64xi32, #tpu.memory_space<vmem>> -> memref<1x64xi32, #tpu.memory_space<vmem>>
      %dma_wait3A_559 = tpu.memref_squeeze %dma_wait3A_558 : memref<1x64xi32, #tpu.memory_space<vmem>> -> memref<64xi32, #tpu.memory_space<vmem>>
      %dma_wait3A_560 = tpu.memref_slice %arg3[%mul3A_2] : memref<320000xi32, #tpu.memory_space<hbm>> -> memref<64xi32, #tpu.memory_space<hbm>>
      tpu.wait_dma2 semaphore(%arg18 : memref<!tpu.dma_semaphore, #tpu.memory_space<semaphore_mem>>) src(%dma_wait3A_560 : memref<64xi32, #tpu.memory_space<hbm>>) dst(%dma_wait3A_559 : memref<64xi32, #tpu.memory_space<vmem>>)
      %run_scoped3A_561 = arith.constant 3 : i32
      %run_scoped3A_562 = arith.constant 3 : i32
      "tpu.region"() ({
        %run_scoped3A_698 = tpu.sem_alloc : memref<!tpu.dma_semaphore, #tpu.memory_space<semaphore_mem>>
        %dma_start3A_699 = arith.constant 0 : i32
        %dma_start3A_700 = arith.constant 0 : i32
        %dma_start3A_701 = tpu.memref_slice %arg6[%run_scoped3A_561, %dma_start3A_699, %dma_start3A_700] : memref<6x64x128xf32, #tpu.memory_space<vmem>> -> memref<1x64x128xf32, #tpu.memory_space<vmem>>
        %dma_start3A_702 = tpu.memref_squeeze %dma_start3A_701 : memref<1x64x128xf32, #tpu.memory_space<vmem>> -> memref<64x128xf32, #tpu.memory_space<vmem>>
        %dma_start3A_703 = arith.constant 0 : i32
        %dma_start3A_704 = tpu.memref_slice %arg7[%run_scoped3A_562, %dma_start3A_703] : memref<6x64xi32, #tpu.memory_space<vmem>> -> memref<1x64xi32, #tpu.memory_space<vmem>>
        %dma_start3A_705 = tpu.memref_squeeze %dma_start3A_704 : memref<1x64xi32, #tpu.memory_space<vmem>> -> memref<64xi32, #tpu.memory_space<vmem>>
        %dma_start3A_706 = arith.constant 0 : i32
        %dma_start3A_707 = arith.constant 0 : i32
        %dma_start3A_708 = tpu.memref_slice %arg8[%dma_start3A_706, %dma_start3A_707] : memref<10008x128xf32, #tpu.memory_space<vmem_shared>> -> memref<10008x128xf32, #tpu.memory_space<vmem_shared>>
        tpu.enqueue_indirect_dma source(%dma_start3A_702 : memref<64x128xf32, #tpu.memory_space<vmem>>) target(%dma_start3A_708 : memref<10008x128xf32, #tpu.memory_space<vmem_shared>>) offsets(%dma_start3A_705 : memref<64xi32, #tpu.memory_space<vmem>>) semaphore(%run_scoped3A_698 : memref<!tpu.dma_semaphore, #tpu.memory_space<semaphore_mem>>) {add = true}
        %dma_wait3A_709 = arith.constant 0 : i32
        %dma_wait3A_710 = arith.constant 0 : i32
        %dma_wait3A_711 = tpu.memref_slice %arg6[%run_scoped3A_561, %dma_wait3A_709, %dma_wait3A_710] : memref<6x64x128xf32, #tpu.memory_space<vmem>> -> memref<1x64x128xf32, #tpu.memory_space<vmem>>
        %dma_wait3A_712 = tpu.memref_squeeze %dma_wait3A_711 : memref<1x64x128xf32, #tpu.memory_space<vmem>> -> memref<64x128xf32, #tpu.memory_space<vmem>>
        %dma_wait3A_713 = arith.constant 0 : i32
        %dma_wait3A_714 = tpu.memref_slice %arg7[%run_scoped3A_562, %dma_wait3A_713] : memref<6x64xi32, #tpu.memory_space<vmem>> -> memref<1x64xi32, #tpu.memory_space<vmem>>
        %dma_wait3A_715 = tpu.memref_squeeze %dma_wait3A_714 : memref<1x64xi32, #tpu.memory_space<vmem>> -> memref<64xi32, #tpu.memory_space<vmem>>
        %dma_wait3A_716 = arith.constant 0 : i32
        %dma_wait3A_717 = arith.constant 0 : i32
        %dma_wait3A_718 = tpu.memref_slice %arg8[%dma_wait3A_716, %dma_wait3A_717] : memref<10008x128xf32, #tpu.memory_space<vmem_shared>> -> memref<10008x128xf32, #tpu.memory_space<vmem_shared>>
        tpu.wait_indirect_dma semaphore(%run_scoped3A_698 : memref<!tpu.dma_semaphore, #tpu.memory_space<semaphore_mem>>) src(%dma_wait3A_712 : memref<64x128xf32, #tpu.memory_space<vmem>>) dst(%dma_wait3A_718 : memref<10008x128xf32, #tpu.memory_space<vmem_shared>>)
        tpu.yield
      }) : () -> ()
      %add3A_563 = arith.constant 3 : i32
      %add3A_564 = arith.addi %mul3A_379, %add3A_563 : i32
      %add3A_565 = arith.constant 6 : i32
      %add3A_566 = arith.addi %add3A_564, %add3A_565 : i32
      %mul3A_567 = arith.constant 64 : i32
      %mul3A_568 = arith.muli %add3A_566, %mul3A_567 : i32
      %add3A_569 = arith.addi %mul3A_2, %mul3A_568 : i32
      %dma_start3A_570 = arith.constant 3 : i32
      %dma_start3A_571 = arith.constant 0 : i32
      %dma_start3A_572 = arith.constant 0 : i32
      %dma_start3A_573 = tpu.memref_slice %arg6[%dma_start3A_570, %dma_start3A_571, %dma_start3A_572] : memref<6x64x128xf32, #tpu.memory_space<vmem>> -> memref<1x64x128xf32, #tpu.memory_space<vmem>>
      %dma_start3A_574 = tpu.memref_squeeze %dma_start3A_573 : memref<1x64x128xf32, #tpu.memory_space<vmem>> -> memref<64x128xf32, #tpu.memory_space<vmem>>
      %dma_start3A_575 = arith.constant 0 : i32
      %dma_start3A_576 = tpu.memref_slice %arg2[%add3A_569, %dma_start3A_575] : memref<320000x128xf32, #tpu.memory_space<hbm>> -> memref<64x128xf32, #tpu.memory_space<hbm>>
      %dma_start3A_577 = arith.constant 0 : i32
      %dma_start3A_578 = arith.constant 0 : i32
      %dma_start3A_579 = tpu.memref_slice %arg6[%dma_start3A_570, %dma_start3A_577, %dma_start3A_578] : memref<6x64x128xf32, #tpu.memory_space<vmem>> -> memref<1x64x128xf32, #tpu.memory_space<vmem>>
      %dma_start3A_580 = tpu.memref_squeeze %dma_start3A_579 : memref<1x64x128xf32, #tpu.memory_space<vmem>> -> memref<64x128xf32, #tpu.memory_space<vmem>>
      %dma_start3A_581 = arith.constant 0 : i32
      %dma_start3A_582 = tpu.memref_slice %arg2[%add3A_569, %dma_start3A_581] : memref<320000x128xf32, #tpu.memory_space<hbm>> -> memref<64x128xf32, #tpu.memory_space<hbm>>
      tpu.enqueue_dma source(%dma_start3A_582 : memref<64x128xf32, #tpu.memory_space<hbm>>) target(%dma_start3A_580 : memref<64x128xf32, #tpu.memory_space<vmem>>) target_semaphore(%arg12 : memref<!tpu.dma_semaphore, #tpu.memory_space<semaphore_mem>>)
      %dma_start3A_583 = arith.constant 3 : i32
      %dma_start3A_584 = arith.constant 0 : i32
      %dma_start3A_585 = tpu.memref_slice %arg7[%dma_start3A_583, %dma_start3A_584] : memref<6x64xi32, #tpu.memory_space<vmem>> -> memref<1x64xi32, #tpu.memory_space<vmem>>
      %dma_start3A_586 = tpu.memref_squeeze %dma_start3A_585 : memref<1x64xi32, #tpu.memory_space<vmem>> -> memref<64xi32, #tpu.memory_space<vmem>>
      %dma_start3A_587 = tpu.memref_slice %arg3[%add3A_569] : memref<320000xi32, #tpu.memory_space<hbm>> -> memref<64xi32, #tpu.memory_space<hbm>>
      %dma_start3A_588 = arith.constant 0 : i32
      %dma_start3A_589 = tpu.memref_slice %arg7[%dma_start3A_583, %dma_start3A_588] : memref<6x64xi32, #tpu.memory_space<vmem>> -> memref<1x64xi32, #tpu.memory_space<vmem>>
      %dma_start3A_590 = tpu.memref_squeeze %dma_start3A_589 : memref<1x64xi32, #tpu.memory_space<vmem>> -> memref<64xi32, #tpu.memory_space<vmem>>
      %dma_start3A_591 = tpu.memref_slice %arg3[%add3A_569] : memref<320000xi32, #tpu.memory_space<hbm>> -> memref<64xi32, #tpu.memory_space<hbm>>
      tpu.enqueue_dma source(%dma_start3A_591 : memref<64xi32, #tpu.memory_space<hbm>>) target(%dma_start3A_590 : memref<64xi32, #tpu.memory_space<vmem>>) target_semaphore(%arg18 : memref<!tpu.dma_semaphore, #tpu.memory_space<semaphore_mem>>)
      %dma_wait3A_592 = arith.constant 4 : i32
      %dma_wait3A_593 = arith.constant 0 : i32
      %dma_wait3A_594 = arith.constant 0 : i32
      %dma_wait3A_595 = tpu.memref_slice %arg6[%dma_wait3A_592, %dma_wait3A_593, %dma_wait3A_594] : memref<6x64x128xf32, #tpu.memory_space<vmem>> -> memref<1x64x128xf32, #tpu.memory_space<vmem>>
      %dma_wait3A_596 = tpu.memref_squeeze %dma_wait3A_595 : memref<1x64x128xf32, #tpu.memory_space<vmem>> -> memref<64x128xf32, #tpu.memory_space<vmem>>
      %dma_wait3A_597 = arith.constant 0 : i32
      %dma_wait3A_598 = tpu.memref_slice %arg2[%mul3A_2, %dma_wait3A_597] : memref<320000x128xf32, #tpu.memory_space<hbm>> -> memref<64x128xf32, #tpu.memory_space<hbm>>
      %dma_wait3A_599 = arith.constant 0 : i32
      %dma_wait3A_600 = arith.constant 0 : i32
      %dma_wait3A_601 = tpu.memref_slice %arg6[%dma_wait3A_592, %dma_wait3A_599, %dma_wait3A_600] : memref<6x64x128xf32, #tpu.memory_space<vmem>> -> memref<1x64x128xf32, #tpu.memory_space<vmem>>
      %dma_wait3A_602 = tpu.memref_squeeze %dma_wait3A_601 : memref<1x64x128xf32, #tpu.memory_space<vmem>> -> memref<64x128xf32, #tpu.memory_space<vmem>>
      %dma_wait3A_603 = arith.constant 0 : i32
      %dma_wait3A_604 = tpu.memref_slice %arg2[%mul3A_2, %dma_wait3A_603] : memref<320000x128xf32, #tpu.memory_space<hbm>> -> memref<64x128xf32, #tpu.memory_space<hbm>>
      tpu.wait_dma2 semaphore(%arg13 : memref<!tpu.dma_semaphore, #tpu.memory_space<semaphore_mem>>) src(%dma_wait3A_604 : memref<64x128xf32, #tpu.memory_space<hbm>>) dst(%dma_wait3A_602 : memref<64x128xf32, #tpu.memory_space<vmem>>)
      %dma_wait3A_605 = arith.constant 4 : i32
      %dma_wait3A_606 = arith.constant 0 : i32
      %dma_wait3A_607 = tpu.memref_slice %arg7[%dma_wait3A_605, %dma_wait3A_606] : memref<6x64xi32, #tpu.memory_space<vmem>> -> memref<1x64xi32, #tpu.memory_space<vmem>>
      %dma_wait3A_608 = tpu.memref_squeeze %dma_wait3A_607 : memref<1x64xi32, #tpu.memory_space<vmem>> -> memref<64xi32, #tpu.memory_space<vmem>>
      %dma_wait3A_609 = tpu.memref_slice %arg3[%mul3A_2] : memref<320000xi32, #tpu.memory_space<hbm>> -> memref<64xi32, #tpu.memory_space<hbm>>
      %dma_wait3A_610 = arith.constant 0 : i32
      %dma_wait3A_611 = tpu.memref_slice %arg7[%dma_wait3A_605, %dma_wait3A_610] : memref<6x64xi32, #tpu.memory_space<vmem>> -> memref<1x64xi32, #tpu.memory_space<vmem>>
      %dma_wait3A_612 = tpu.memref_squeeze %dma_wait3A_611 : memref<1x64xi32, #tpu.memory_space<vmem>> -> memref<64xi32, #tpu.memory_space<vmem>>
      %dma_wait3A_613 = tpu.memref_slice %arg3[%mul3A_2] : memref<320000xi32, #tpu.memory_space<hbm>> -> memref<64xi32, #tpu.memory_space<hbm>>
      tpu.wait_dma2 semaphore(%arg19 : memref<!tpu.dma_semaphore, #tpu.memory_space<semaphore_mem>>) src(%dma_wait3A_613 : memref<64xi32, #tpu.memory_space<hbm>>) dst(%dma_wait3A_612 : memref<64xi32, #tpu.memory_space<vmem>>)
      %run_scoped3A_614 = arith.constant 4 : i32
      %run_scoped3A_615 = arith.constant 4 : i32
      "tpu.region"() ({
        %run_scoped3A_698 = tpu.sem_alloc : memref<!tpu.dma_semaphore, #tpu.memory_space<semaphore_mem>>
        %dma_start3A_699 = arith.constant 0 : i32
        %dma_start3A_700 = arith.constant 0 : i32
        %dma_start3A_701 = tpu.memref_slice %arg6[%run_scoped3A_614, %dma_start3A_699, %dma_start3A_700] : memref<6x64x128xf32, #tpu.memory_space<vmem>> -> memref<1x64x128xf32, #tpu.memory_space<vmem>>
        %dma_start3A_702 = tpu.memref_squeeze %dma_start3A_701 : memref<1x64x128xf32, #tpu.memory_space<vmem>> -> memref<64x128xf32, #tpu.memory_space<vmem>>
        %dma_start3A_703 = arith.constant 0 : i32
        %dma_start3A_704 = tpu.memref_slice %arg7[%run_scoped3A_615, %dma_start3A_703] : memref<6x64xi32, #tpu.memory_space<vmem>> -> memref<1x64xi32, #tpu.memory_space<vmem>>
        %dma_start3A_705 = tpu.memref_squeeze %dma_start3A_704 : memref<1x64xi32, #tpu.memory_space<vmem>> -> memref<64xi32, #tpu.memory_space<vmem>>
        %dma_start3A_706 = arith.constant 0 : i32
        %dma_start3A_707 = arith.constant 0 : i32
        %dma_start3A_708 = tpu.memref_slice %arg8[%dma_start3A_706, %dma_start3A_707] : memref<10008x128xf32, #tpu.memory_space<vmem_shared>> -> memref<10008x128xf32, #tpu.memory_space<vmem_shared>>
        tpu.enqueue_indirect_dma source(%dma_start3A_702 : memref<64x128xf32, #tpu.memory_space<vmem>>) target(%dma_start3A_708 : memref<10008x128xf32, #tpu.memory_space<vmem_shared>>) offsets(%dma_start3A_705 : memref<64xi32, #tpu.memory_space<vmem>>) semaphore(%run_scoped3A_698 : memref<!tpu.dma_semaphore, #tpu.memory_space<semaphore_mem>>) {add = true}
        %dma_wait3A_709 = arith.constant 0 : i32
        %dma_wait3A_710 = arith.constant 0 : i32
        %dma_wait3A_711 = tpu.memref_slice %arg6[%run_scoped3A_614, %dma_wait3A_709, %dma_wait3A_710] : memref<6x64x128xf32, #tpu.memory_space<vmem>> -> memref<1x64x128xf32, #tpu.memory_space<vmem>>
        %dma_wait3A_712 = tpu.memref_squeeze %dma_wait3A_711 : memref<1x64x128xf32, #tpu.memory_space<vmem>> -> memref<64x128xf32, #tpu.memory_space<vmem>>
        %dma_wait3A_713 = arith.constant 0 : i32
        %dma_wait3A_714 = tpu.memref_slice %arg7[%run_scoped3A_615, %dma_wait3A_713] : memref<6x64xi32, #tpu.memory_space<vmem>> -> memref<1x64xi32, #tpu.memory_space<vmem>>
        %dma_wait3A_715 = tpu.memref_squeeze %dma_wait3A_714 : memref<1x64xi32, #tpu.memory_space<vmem>> -> memref<64xi32, #tpu.memory_space<vmem>>
        %dma_wait3A_716 = arith.constant 0 : i32
        %dma_wait3A_717 = arith.constant 0 : i32
        %dma_wait3A_718 = tpu.memref_slice %arg8[%dma_wait3A_716, %dma_wait3A_717] : memref<10008x128xf32, #tpu.memory_space<vmem_shared>> -> memref<10008x128xf32, #tpu.memory_space<vmem_shared>>
        tpu.wait_indirect_dma semaphore(%run_scoped3A_698 : memref<!tpu.dma_semaphore, #tpu.memory_space<semaphore_mem>>) src(%dma_wait3A_712 : memref<64x128xf32, #tpu.memory_space<vmem>>) dst(%dma_wait3A_718 : memref<10008x128xf32, #tpu.memory_space<vmem_shared>>)
        tpu.yield
      }) : () -> ()
      %add3A_616 = arith.constant 4 : i32
      %add3A_617 = arith.addi %mul3A_379, %add3A_616 : i32
      %add3A_618 = arith.constant 6 : i32
      %add3A_619 = arith.addi %add3A_617, %add3A_618 : i32
      %mul3A_620 = arith.constant 64 : i32
      %mul3A_621 = arith.muli %add3A_619, %mul3A_620 : i32
      %add3A_622 = arith.addi %mul3A_2, %mul3A_621 : i32
      %dma_start3A_623 = arith.constant 4 : i32
      %dma_start3A_624 = arith.constant 0 : i32
      %dma_start3A_625 = arith.constant 0 : i32
      %dma_start3A_626 = tpu.memref_slice %arg6[%dma_start3A_623, %dma_start3A_624, %dma_start3A_625] : memref<6x64x128xf32, #tpu.memory_space<vmem>> -> memref<1x64x128xf32, #tpu.memory_space<vmem>>
      %dma_start3A_627 = tpu.memref_squeeze %dma_start3A_626 : memref<1x64x128xf32, #tpu.memory_space<vmem>> -> memref<64x128xf32, #tpu.memory_space<vmem>>
      %dma_start3A_628 = arith.constant 0 : i32
      %dma_start3A_629 = tpu.memref_slice %arg2[%add3A_622, %dma_start3A_628] : memref<320000x128xf32, #tpu.memory_space<hbm>> -> memref<64x128xf32, #tpu.memory_space<hbm>>
      %dma_start3A_630 = arith.constant 0 : i32
      %dma_start3A_631 = arith.constant 0 : i32
      %dma_start3A_632 = tpu.memref_slice %arg6[%dma_start3A_623, %dma_start3A_630, %dma_start3A_631] : memref<6x64x128xf32, #tpu.memory_space<vmem>> -> memref<1x64x128xf32, #tpu.memory_space<vmem>>
      %dma_start3A_633 = tpu.memref_squeeze %dma_start3A_632 : memref<1x64x128xf32, #tpu.memory_space<vmem>> -> memref<64x128xf32, #tpu.memory_space<vmem>>
      %dma_start3A_634 = arith.constant 0 : i32
      %dma_start3A_635 = tpu.memref_slice %arg2[%add3A_622, %dma_start3A_634] : memref<320000x128xf32, #tpu.memory_space<hbm>> -> memref<64x128xf32, #tpu.memory_space<hbm>>
      tpu.enqueue_dma source(%dma_start3A_635 : memref<64x128xf32, #tpu.memory_space<hbm>>) target(%dma_start3A_633 : memref<64x128xf32, #tpu.memory_space<vmem>>) target_semaphore(%arg13 : memref<!tpu.dma_semaphore, #tpu.memory_space<semaphore_mem>>)
      %dma_start3A_636 = arith.constant 4 : i32
      %dma_start3A_637 = arith.constant 0 : i32
      %dma_start3A_638 = tpu.memref_slice %arg7[%dma_start3A_636, %dma_start3A_637] : memref<6x64xi32, #tpu.memory_space<vmem>> -> memref<1x64xi32, #tpu.memory_space<vmem>>
      %dma_start3A_639 = tpu.memref_squeeze %dma_start3A_638 : memref<1x64xi32, #tpu.memory_space<vmem>> -> memref<64xi32, #tpu.memory_space<vmem>>
      %dma_start3A_640 = tpu.memref_slice %arg3[%add3A_622] : memref<320000xi32, #tpu.memory_space<hbm>> -> memref<64xi32, #tpu.memory_space<hbm>>
      %dma_start3A_641 = arith.constant 0 : i32
      %dma_start3A_642 = tpu.memref_slice %arg7[%dma_start3A_636, %dma_start3A_641] : memref<6x64xi32, #tpu.memory_space<vmem>> -> memref<1x64xi32, #tpu.memory_space<vmem>>
      %dma_start3A_643 = tpu.memref_squeeze %dma_start3A_642 : memref<1x64xi32, #tpu.memory_space<vmem>> -> memref<64xi32, #tpu.memory_space<vmem>>
      %dma_start3A_644 = tpu.memref_slice %arg3[%add3A_622] : memref<320000xi32, #tpu.memory_space<hbm>> -> memref<64xi32, #tpu.memory_space<hbm>>
      tpu.enqueue_dma source(%dma_start3A_644 : memref<64xi32, #tpu.memory_space<hbm>>) target(%dma_start3A_643 : memref<64xi32, #tpu.memory_space<vmem>>) target_semaphore(%arg19 : memref<!tpu.dma_semaphore, #tpu.memory_space<semaphore_mem>>)
      %dma_wait3A_645 = arith.constant 5 : i32
      %dma_wait3A_646 = arith.constant 0 : i32
      %dma_wait3A_647 = arith.constant 0 : i32
      %dma_wait3A_648 = tpu.memref_slice %arg6[%dma_wait3A_645, %dma_wait3A_646, %dma_wait3A_647] : memref<6x64x128xf32, #tpu.memory_space<vmem>> -> memref<1x64x128xf32, #tpu.memory_space<vmem>>
      %dma_wait3A_649 = tpu.memref_squeeze %dma_wait3A_648 : memref<1x64x128xf32, #tpu.memory_space<vmem>> -> memref<64x128xf32, #tpu.memory_space<vmem>>
      %dma_wait3A_650 = arith.constant 0 : i32
      %dma_wait3A_651 = tpu.memref_slice %arg2[%mul3A_2, %dma_wait3A_650] : memref<320000x128xf32, #tpu.memory_space<hbm>> -> memref<64x128xf32, #tpu.memory_space<hbm>>
      %dma_wait3A_652 = arith.constant 0 : i32
      %dma_wait3A_653 = arith.constant 0 : i32
      %dma_wait3A_654 = tpu.memref_slice %arg6[%dma_wait3A_645, %dma_wait3A_652, %dma_wait3A_653] : memref<6x64x128xf32, #tpu.memory_space<vmem>> -> memref<1x64x128xf32, #tpu.memory_space<vmem>>
      %dma_wait3A_655 = tpu.memref_squeeze %dma_wait3A_654 : memref<1x64x128xf32, #tpu.memory_space<vmem>> -> memref<64x128xf32, #tpu.memory_space<vmem>>
      %dma_wait3A_656 = arith.constant 0 : i32
      %dma_wait3A_657 = tpu.memref_slice %arg2[%mul3A_2, %dma_wait3A_656] : memref<320000x128xf32, #tpu.memory_space<hbm>> -> memref<64x128xf32, #tpu.memory_space<hbm>>
      tpu.wait_dma2 semaphore(%arg14 : memref<!tpu.dma_semaphore, #tpu.memory_space<semaphore_mem>>) src(%dma_wait3A_657 : memref<64x128xf32, #tpu.memory_space<hbm>>) dst(%dma_wait3A_655 : memref<64x128xf32, #tpu.memory_space<vmem>>)
      %dma_wait3A_658 = arith.constant 5 : i32
      %dma_wait3A_659 = arith.constant 0 : i32
      %dma_wait3A_660 = tpu.memref_slice %arg7[%dma_wait3A_658, %dma_wait3A_659] : memref<6x64xi32, #tpu.memory_space<vmem>> -> memref<1x64xi32, #tpu.memory_space<vmem>>
      %dma_wait3A_661 = tpu.memref_squeeze %dma_wait3A_660 : memref<1x64xi32, #tpu.memory_space<vmem>> -> memref<64xi32, #tpu.memory_space<vmem>>
      %dma_wait3A_662 = tpu.memref_slice %arg3[%mul3A_2] : memref<320000xi32, #tpu.memory_space<hbm>> -> memref<64xi32, #tpu.memory_space<hbm>>
      %dma_wait3A_663 = arith.constant 0 : i32
      %dma_wait3A_664 = tpu.memref_slice %arg7[%dma_wait3A_658, %dma_wait3A_663] : memref<6x64xi32, #tpu.memory_space<vmem>> -> memref<1x64xi32, #tpu.memory_space<vmem>>
      %dma_wait3A_665 = tpu.memref_squeeze %dma_wait3A_664 : memref<1x64xi32, #tpu.memory_space<vmem>> -> memref<64xi32, #tpu.memory_space<vmem>>
      %dma_wait3A_666 = tpu.memref_slice %arg3[%mul3A_2] : memref<320000xi32, #tpu.memory_space<hbm>> -> memref<64xi32, #tpu.memory_space<hbm>>
      tpu.wait_dma2 semaphore(%arg20 : memref<!tpu.dma_semaphore, #tpu.memory_space<semaphore_mem>>) src(%dma_wait3A_666 : memref<64xi32, #tpu.memory_space<hbm>>) dst(%dma_wait3A_665 : memref<64xi32, #tpu.memory_space<vmem>>)
      %run_scoped3A_667 = arith.constant 5 : i32
      %run_scoped3A_668 = arith.constant 5 : i32
      "tpu.region"() ({
        %run_scoped3A_698 = tpu.sem_alloc : memref<!tpu.dma_semaphore, #tpu.memory_space<semaphore_mem>>
        %dma_start3A_699 = arith.constant 0 : i32
        %dma_start3A_700 = arith.constant 0 : i32
        %dma_start3A_701 = tpu.memref_slice %arg6[%run_scoped3A_667, %dma_start3A_699, %dma_start3A_700] : memref<6x64x128xf32, #tpu.memory_space<vmem>> -> memref<1x64x128xf32, #tpu.memory_space<vmem>>
        %dma_start3A_702 = tpu.memref_squeeze %dma_start3A_701 : memref<1x64x128xf32, #tpu.memory_space<vmem>> -> memref<64x128xf32, #tpu.memory_space<vmem>>
        %dma_start3A_703 = arith.constant 0 : i32
        %dma_start3A_704 = tpu.memref_slice %arg7[%run_scoped3A_668, %dma_start3A_703] : memref<6x64xi32, #tpu.memory_space<vmem>> -> memref<1x64xi32, #tpu.memory_space<vmem>>
        %dma_start3A_705 = tpu.memref_squeeze %dma_start3A_704 : memref<1x64xi32, #tpu.memory_space<vmem>> -> memref<64xi32, #tpu.memory_space<vmem>>
        %dma_start3A_706 = arith.constant 0 : i32
        %dma_start3A_707 = arith.constant 0 : i32
        %dma_start3A_708 = tpu.memref_slice %arg8[%dma_start3A_706, %dma_start3A_707] : memref<10008x128xf32, #tpu.memory_space<vmem_shared>> -> memref<10008x128xf32, #tpu.memory_space<vmem_shared>>
        tpu.enqueue_indirect_dma source(%dma_start3A_702 : memref<64x128xf32, #tpu.memory_space<vmem>>) target(%dma_start3A_708 : memref<10008x128xf32, #tpu.memory_space<vmem_shared>>) offsets(%dma_start3A_705 : memref<64xi32, #tpu.memory_space<vmem>>) semaphore(%run_scoped3A_698 : memref<!tpu.dma_semaphore, #tpu.memory_space<semaphore_mem>>) {add = true}
        %dma_wait3A_709 = arith.constant 0 : i32
        %dma_wait3A_710 = arith.constant 0 : i32
        %dma_wait3A_711 = tpu.memref_slice %arg6[%run_scoped3A_667, %dma_wait3A_709, %dma_wait3A_710] : memref<6x64x128xf32, #tpu.memory_space<vmem>> -> memref<1x64x128xf32, #tpu.memory_space<vmem>>
        %dma_wait3A_712 = tpu.memref_squeeze %dma_wait3A_711 : memref<1x64x128xf32, #tpu.memory_space<vmem>> -> memref<64x128xf32, #tpu.memory_space<vmem>>
        %dma_wait3A_713 = arith.constant 0 : i32
        %dma_wait3A_714 = tpu.memref_slice %arg7[%run_scoped3A_668, %dma_wait3A_713] : memref<6x64xi32, #tpu.memory_space<vmem>> -> memref<1x64xi32, #tpu.memory_space<vmem>>
        %dma_wait3A_715 = tpu.memref_squeeze %dma_wait3A_714 : memref<1x64xi32, #tpu.memory_space<vmem>> -> memref<64xi32, #tpu.memory_space<vmem>>
        %dma_wait3A_716 = arith.constant 0 : i32
        %dma_wait3A_717 = arith.constant 0 : i32
        %dma_wait3A_718 = tpu.memref_slice %arg8[%dma_wait3A_716, %dma_wait3A_717] : memref<10008x128xf32, #tpu.memory_space<vmem_shared>> -> memref<10008x128xf32, #tpu.memory_space<vmem_shared>>
        tpu.wait_indirect_dma semaphore(%run_scoped3A_698 : memref<!tpu.dma_semaphore, #tpu.memory_space<semaphore_mem>>) src(%dma_wait3A_712 : memref<64x128xf32, #tpu.memory_space<vmem>>) dst(%dma_wait3A_718 : memref<10008x128xf32, #tpu.memory_space<vmem_shared>>)
        tpu.yield
      }) : () -> ()
      %add3A_669 = arith.constant 5 : i32
      %add3A_670 = arith.addi %mul3A_379, %add3A_669 : i32
      %add3A_671 = arith.constant 6 : i32
      %add3A_672 = arith.addi %add3A_670, %add3A_671 : i32
      %mul3A_673 = arith.constant 64 : i32
      %mul3A_674 = arith.muli %add3A_672, %mul3A_673 : i32
      %add3A_675 = arith.addi %mul3A_2, %mul3A_674 : i32
      %dma_start3A_676 = arith.constant 5 : i32
      %dma_start3A_677 = arith.constant 0 : i32
      %dma_start3A_678 = arith.constant 0 : i32
      %dma_start3A_679 = tpu.memref_slice %arg6[%dma_start3A_676, %dma_start3A_677, %dma_start3A_678] : memref<6x64x128xf32, #tpu.memory_space<vmem>> -> memref<1x64x128xf32, #tpu.memory_space<vmem>>
      %dma_start3A_680 = tpu.memref_squeeze %dma_start3A_679 : memref<1x64x128xf32, #tpu.memory_space<vmem>> -> memref<64x128xf32, #tpu.memory_space<vmem>>
      %dma_start3A_681 = arith.constant 0 : i32
      %dma_start3A_682 = tpu.memref_slice %arg2[%add3A_675, %dma_start3A_681] : memref<320000x128xf32, #tpu.memory_space<hbm>> -> memref<64x128xf32, #tpu.memory_space<hbm>>
      %dma_start3A_683 = arith.constant 0 : i32
      %dma_start3A_684 = arith.constant 0 : i32
      %dma_start3A_685 = tpu.memref_slice %arg6[%dma_start3A_676, %dma_start3A_683, %dma_start3A_684] : memref<6x64x128xf32, #tpu.memory_space<vmem>> -> memref<1x64x128xf32, #tpu.memory_space<vmem>>
      %dma_start3A_686 = tpu.memref_squeeze %dma_start3A_685 : memref<1x64x128xf32, #tpu.memory_space<vmem>> -> memref<64x128xf32, #tpu.memory_space<vmem>>
      %dma_start3A_687 = arith.constant 0 : i32
      %dma_start3A_688 = tpu.memref_slice %arg2[%add3A_675, %dma_start3A_687] : memref<320000x128xf32, #tpu.memory_space<hbm>> -> memref<64x128xf32, #tpu.memory_space<hbm>>
      tpu.enqueue_dma source(%dma_start3A_688 : memref<64x128xf32, #tpu.memory_space<hbm>>) target(%dma_start3A_686 : memref<64x128xf32, #tpu.memory_space<vmem>>) target_semaphore(%arg14 : memref<!tpu.dma_semaphore, #tpu.memory_space<semaphore_mem>>)
      %dma_start3A_689 = arith.constant 5 : i32
      %dma_start3A_690 = arith.constant 0 : i32
      %dma_start3A_691 = tpu.memref_slice %arg7[%dma_start3A_689, %dma_start3A_690] : memref<6x64xi32, #tpu.memory_space<vmem>> -> memref<1x64xi32, #tpu.memory_space<vmem>>
      %dma_start3A_692 = tpu.memref_squeeze %dma_start3A_691 : memref<1x64xi32, #tpu.memory_space<vmem>> -> memref<64xi32, #tpu.memory_space<vmem>>
      %dma_start3A_693 = tpu.memref_slice %arg3[%add3A_675] : memref<320000xi32, #tpu.memory_space<hbm>> -> memref<64xi32, #tpu.memory_space<hbm>>
      %dma_start3A_694 = arith.constant 0 : i32
      %dma_start3A_695 = tpu.memref_slice %arg7[%dma_start3A_689, %dma_start3A_694] : memref<6x64xi32, #tpu.memory_space<vmem>> -> memref<1x64xi32, #tpu.memory_space<vmem>>
      %dma_start3A_696 = tpu.memref_squeeze %dma_start3A_695 : memref<1x64xi32, #tpu.memory_space<vmem>> -> memref<64xi32, #tpu.memory_space<vmem>>
      %dma_start3A_697 = tpu.memref_slice %arg3[%add3A_675] : memref<320000xi32, #tpu.memory_space<hbm>> -> memref<64xi32, #tpu.memory_space<hbm>>
      tpu.enqueue_dma source(%dma_start3A_697 : memref<64xi32, #tpu.memory_space<hbm>>) target(%dma_start3A_696 : memref<64xi32, #tpu.memory_space<vmem>>) target_semaphore(%arg20 : memref<!tpu.dma_semaphore, #tpu.memory_space<semaphore_mem>>)
    }
    %scan3A_154 = arith.constant 25 : i32
    %dma_wait3A = arith.constant 0 : i32
    %dma_wait3A_155 = arith.constant 0 : i32
    %dma_wait3A_156 = arith.constant 0 : i32
    %dma_wait3A_157 = tpu.memref_slice %arg6[%dma_wait3A, %dma_wait3A_155, %dma_wait3A_156] : memref<6x64x128xf32, #tpu.memory_space<vmem>> -> memref<1x64x128xf32, #tpu.memory_space<vmem>>
    %dma_wait3A_158 = tpu.memref_squeeze %dma_wait3A_157 : memref<1x64x128xf32, #tpu.memory_space<vmem>> -> memref<64x128xf32, #tpu.memory_space<vmem>>
    %dma_wait3A_159 = arith.constant 0 : i32
    %dma_wait3A_160 = tpu.memref_slice %arg2[%mul3A_2, %dma_wait3A_159] : memref<320000x128xf32, #tpu.memory_space<hbm>> -> memref<64x128xf32, #tpu.memory_space<hbm>>
    %dma_wait3A_161 = arith.constant 0 : i32
    %dma_wait3A_162 = arith.constant 0 : i32
    %dma_wait3A_163 = tpu.memref_slice %arg6[%dma_wait3A, %dma_wait3A_161, %dma_wait3A_162] : memref<6x64x128xf32, #tpu.memory_space<vmem>> -> memref<1x64x128xf32, #tpu.memory_space<vmem>>
    %dma_wait3A_164 = tpu.memref_squeeze %dma_wait3A_163 : memref<1x64x128xf32, #tpu.memory_space<vmem>> -> memref<64x128xf32, #tpu.memory_space<vmem>>
    %dma_wait3A_165 = arith.constant 0 : i32
    %dma_wait3A_166 = tpu.memref_slice %arg2[%mul3A_2, %dma_wait3A_165] : memref<320000x128xf32, #tpu.memory_space<hbm>> -> memref<64x128xf32, #tpu.memory_space<hbm>>
    tpu.wait_dma2 semaphore(%arg9 : memref<!tpu.dma_semaphore, #tpu.memory_space<semaphore_mem>>) src(%dma_wait3A_166 : memref<64x128xf32, #tpu.memory_space<hbm>>) dst(%dma_wait3A_164 : memref<64x128xf32, #tpu.memory_space<vmem>>)
    %dma_wait3A_167 = arith.constant 0 : i32
    %dma_wait3A_168 = arith.constant 0 : i32
    %dma_wait3A_169 = tpu.memref_slice %arg7[%dma_wait3A_167, %dma_wait3A_168] : memref<6x64xi32, #tpu.memory_space<vmem>> -> memref<1x64xi32, #tpu.memory_space<vmem>>
    %dma_wait3A_170 = tpu.memref_squeeze %dma_wait3A_169 : memref<1x64xi32, #tpu.memory_space<vmem>> -> memref<64xi32, #tpu.memory_space<vmem>>
    %dma_wait3A_171 = tpu.memref_slice %arg3[%mul3A_2] : memref<320000xi32, #tpu.memory_space<hbm>> -> memref<64xi32, #tpu.memory_space<hbm>>
    %dma_wait3A_172 = arith.constant 0 : i32
    %dma_wait3A_173 = tpu.memref_slice %arg7[%dma_wait3A_167, %dma_wait3A_172] : memref<6x64xi32, #tpu.memory_space<vmem>> -> memref<1x64xi32, #tpu.memory_space<vmem>>
    %dma_wait3A_174 = tpu.memref_squeeze %dma_wait3A_173 : memref<1x64xi32, #tpu.memory_space<vmem>> -> memref<64xi32, #tpu.memory_space<vmem>>
    %dma_wait3A_175 = tpu.memref_slice %arg3[%mul3A_2] : memref<320000xi32, #tpu.memory_space<hbm>> -> memref<64xi32, #tpu.memory_space<hbm>>
    tpu.wait_dma2 semaphore(%arg15 : memref<!tpu.dma_semaphore, #tpu.memory_space<semaphore_mem>>) src(%dma_wait3A_175 : memref<64xi32, #tpu.memory_space<hbm>>) dst(%dma_wait3A_174 : memref<64xi32, #tpu.memory_space<vmem>>)
    %run_scoped3A = arith.constant 0 : i32
    %run_scoped3A_176 = arith.constant 0 : i32
    "tpu.region"() ({
      %run_scoped3A_377 = tpu.sem_alloc : memref<!tpu.dma_semaphore, #tpu.memory_space<semaphore_mem>>
      %dma_start3A_378 = arith.constant 0 : i32
      %dma_start3A_379 = arith.constant 0 : i32
      %dma_start3A_380 = tpu.memref_slice %arg6[%run_scoped3A, %dma_start3A_378, %dma_start3A_379] : memref<6x64x128xf32, #tpu.memory_space<vmem>> -> memref<1x64x128xf32, #tpu.memory_space<vmem>>
      %dma_start3A_381 = tpu.memref_squeeze %dma_start3A_380 : memref<1x64x128xf32, #tpu.memory_space<vmem>> -> memref<64x128xf32, #tpu.memory_space<vmem>>
      %dma_start3A_382 = arith.constant 0 : i32
      %dma_start3A_383 = tpu.memref_slice %arg7[%run_scoped3A_176, %dma_start3A_382] : memref<6x64xi32, #tpu.memory_space<vmem>> -> memref<1x64xi32, #tpu.memory_space<vmem>>
      %dma_start3A_384 = tpu.memref_squeeze %dma_start3A_383 : memref<1x64xi32, #tpu.memory_space<vmem>> -> memref<64xi32, #tpu.memory_space<vmem>>
      %dma_start3A_385 = arith.constant 0 : i32
      %dma_start3A_386 = arith.constant 0 : i32
      %dma_start3A_387 = tpu.memref_slice %arg8[%dma_start3A_385, %dma_start3A_386] : memref<10008x128xf32, #tpu.memory_space<vmem_shared>> -> memref<10008x128xf32, #tpu.memory_space<vmem_shared>>
      tpu.enqueue_indirect_dma source(%dma_start3A_381 : memref<64x128xf32, #tpu.memory_space<vmem>>) target(%dma_start3A_387 : memref<10008x128xf32, #tpu.memory_space<vmem_shared>>) offsets(%dma_start3A_384 : memref<64xi32, #tpu.memory_space<vmem>>) semaphore(%run_scoped3A_377 : memref<!tpu.dma_semaphore, #tpu.memory_space<semaphore_mem>>) {add = true}
      %dma_wait3A_388 = arith.constant 0 : i32
      %dma_wait3A_389 = arith.constant 0 : i32
      %dma_wait3A_390 = tpu.memref_slice %arg6[%run_scoped3A, %dma_wait3A_388, %dma_wait3A_389] : memref<6x64x128xf32, #tpu.memory_space<vmem>> -> memref<1x64x128xf32, #tpu.memory_space<vmem>>
      %dma_wait3A_391 = tpu.memref_squeeze %dma_wait3A_390 : memref<1x64x128xf32, #tpu.memory_space<vmem>> -> memref<64x128xf32, #tpu.memory_space<vmem>>
      %dma_wait3A_392 = arith.constant 0 : i32
      %dma_wait3A_393 = tpu.memref_slice %arg7[%run_scoped3A_176, %dma_wait3A_392] : memref<6x64xi32, #tpu.memory_space<vmem>> -> memref<1x64xi32, #tpu.memory_space<vmem>>
      %dma_wait3A_394 = tpu.memref_squeeze %dma_wait3A_393 : memref<1x64xi32, #tpu.memory_space<vmem>> -> memref<64xi32, #tpu.memory_space<vmem>>
      %dma_wait3A_395 = arith.constant 0 : i32
      %dma_wait3A_396 = arith.constant 0 : i32
      %dma_wait3A_397 = tpu.memref_slice %arg8[%dma_wait3A_395, %dma_wait3A_396] : memref<10008x128xf32, #tpu.memory_space<vmem_shared>> -> memref<10008x128xf32, #tpu.memory_space<vmem_shared>>
      tpu.wait_indirect_dma semaphore(%run_scoped3A_377 : memref<!tpu.dma_semaphore, #tpu.memory_space<semaphore_mem>>) src(%dma_wait3A_391 : memref<64x128xf32, #tpu.memory_space<vmem>>) dst(%dma_wait3A_397 : memref<10008x128xf32, #tpu.memory_space<vmem_shared>>)
      tpu.yield
    }) : () -> ()
    %add3A_177 = arith.constant 9936 : i32
    %add3A_178 = arith.addi %mul3A_2, %add3A_177 : i32
    %dma_start3A_179 = arith.constant 0 : i32
    %dma_start3A_180 = arith.constant 0 : i32
    %dma_start3A_181 = arith.constant 0 : i32
    %dma_start3A_182 = tpu.memref_slice %arg6[%dma_start3A_179, %dma_start3A_180, %dma_start3A_181] : memref<6x64x128xf32, #tpu.memory_space<vmem>> -> memref<1x64x128xf32, #tpu.memory_space<vmem>>
    %dma_start3A_183 = tpu.memref_squeeze %dma_start3A_182 : memref<1x64x128xf32, #tpu.memory_space<vmem>> -> memref<64x128xf32, #tpu.memory_space<vmem>>
    %dma_start3A_184 = arith.constant 0 : i32
    %dma_start3A_185 = tpu.memref_slice %arg2[%add3A_178, %dma_start3A_184] : memref<320000x128xf32, #tpu.memory_space<hbm>> -> memref<64x128xf32, #tpu.memory_space<hbm>>
    %dma_start3A_186 = arith.constant 0 : i32
    %dma_start3A_187 = arith.constant 0 : i32
    %dma_start3A_188 = tpu.memref_slice %arg6[%dma_start3A_179, %dma_start3A_186, %dma_start3A_187] : memref<6x64x128xf32, #tpu.memory_space<vmem>> -> memref<1x64x128xf32, #tpu.memory_space<vmem>>
    %dma_start3A_189 = tpu.memref_squeeze %dma_start3A_188 : memref<1x64x128xf32, #tpu.memory_space<vmem>> -> memref<64x128xf32, #tpu.memory_space<vmem>>
    %dma_start3A_190 = arith.constant 0 : i32
    %dma_start3A_191 = tpu.memref_slice %arg2[%add3A_178, %dma_start3A_190] : memref<320000x128xf32, #tpu.memory_space<hbm>> -> memref<64x128xf32, #tpu.memory_space<hbm>>
    tpu.enqueue_dma source(%dma_start3A_191 : memref<64x128xf32, #tpu.memory_space<hbm>>) target(%dma_start3A_189 : memref<64x128xf32, #tpu.memory_space<vmem>>) target_semaphore(%arg9 : memref<!tpu.dma_semaphore, #tpu.memory_space<semaphore_mem>>)
    %dma_start3A_192 = arith.constant 0 : i32
    %dma_start3A_193 = arith.constant 0 : i32
    %dma_start3A_194 = tpu.memref_slice %arg7[%dma_start3A_192, %dma_start3A_193] : memref<6x64xi32, #tpu.memory_space<vmem>> -> memref<1x64xi32, #tpu.memory_space<vmem>>
    %dma_start3A_195 = tpu.memref_squeeze %dma_start3A_194 : memref<1x64xi32, #tpu.memory_space<vmem>> -> memref<64xi32, #tpu.memory_space<vmem>>
    %dma_start3A_196 = tpu.memref_slice %arg3[%add3A_178] : memref<320000xi32, #tpu.memory_space<hbm>> -> memref<64xi32, #tpu.memory_space<hbm>>
    %dma_start3A_197 = arith.constant 0 : i32
    %dma_start3A_198 = tpu.memref_slice %arg7[%dma_start3A_192, %dma_start3A_197] : memref<6x64xi32, #tpu.memory_space<vmem>> -> memref<1x64xi32, #tpu.memory_space<vmem>>
    %dma_start3A_199 = tpu.memref_squeeze %dma_start3A_198 : memref<1x64xi32, #tpu.memory_space<vmem>> -> memref<64xi32, #tpu.memory_space<vmem>>
    %dma_start3A_200 = tpu.memref_slice %arg3[%add3A_178] : memref<320000xi32, #tpu.memory_space<hbm>> -> memref<64xi32, #tpu.memory_space<hbm>>
    tpu.enqueue_dma source(%dma_start3A_200 : memref<64xi32, #tpu.memory_space<hbm>>) target(%dma_start3A_199 : memref<64xi32, #tpu.memory_space<vmem>>) target_semaphore(%arg15 : memref<!tpu.dma_semaphore, #tpu.memory_space<semaphore_mem>>)
    %dma_wait3A_201 = arith.constant 1 : i32
    %dma_wait3A_202 = arith.constant 0 : i32
    %dma_wait3A_203 = arith.constant 0 : i32
    %dma_wait3A_204 = tpu.memref_slice %arg6[%dma_wait3A_201, %dma_wait3A_202, %dma_wait3A_203] : memref<6x64x128xf32, #tpu.memory_space<vmem>> -> memref<1x64x128xf32, #tpu.memory_space<vmem>>
    %dma_wait3A_205 = tpu.memref_squeeze %dma_wait3A_204 : memref<1x64x128xf32, #tpu.memory_space<vmem>> -> memref<64x128xf32, #tpu.memory_space<vmem>>
    %dma_wait3A_206 = arith.constant 0 : i32
    %dma_wait3A_207 = tpu.memref_slice %arg2[%mul3A_2, %dma_wait3A_206] : memref<320000x128xf32, #tpu.memory_space<hbm>> -> memref<64x128xf32, #tpu.memory_space<hbm>>
    %dma_wait3A_208 = arith.constant 0 : i32
    %dma_wait3A_209 = arith.constant 0 : i32
    %dma_wait3A_210 = tpu.memref_slice %arg6[%dma_wait3A_201, %dma_wait3A_208, %dma_wait3A_209] : memref<6x64x128xf32, #tpu.memory_space<vmem>> -> memref<1x64x128xf32, #tpu.memory_space<vmem>>
    %dma_wait3A_211 = tpu.memref_squeeze %dma_wait3A_210 : memref<1x64x128xf32, #tpu.memory_space<vmem>> -> memref<64x128xf32, #tpu.memory_space<vmem>>
    %dma_wait3A_212 = arith.constant 0 : i32
    %dma_wait3A_213 = tpu.memref_slice %arg2[%mul3A_2, %dma_wait3A_212] : memref<320000x128xf32, #tpu.memory_space<hbm>> -> memref<64x128xf32, #tpu.memory_space<hbm>>
    tpu.wait_dma2 semaphore(%arg10 : memref<!tpu.dma_semaphore, #tpu.memory_space<semaphore_mem>>) src(%dma_wait3A_213 : memref<64x128xf32, #tpu.memory_space<hbm>>) dst(%dma_wait3A_211 : memref<64x128xf32, #tpu.memory_space<vmem>>)
    %dma_wait3A_214 = arith.constant 1 : i32
    %dma_wait3A_215 = arith.constant 0 : i32
    %dma_wait3A_216 = tpu.memref_slice %arg7[%dma_wait3A_214, %dma_wait3A_215] : memref<6x64xi32, #tpu.memory_space<vmem>> -> memref<1x64xi32, #tpu.memory_space<vmem>>
    %dma_wait3A_217 = tpu.memref_squeeze %dma_wait3A_216 : memref<1x64xi32, #tpu.memory_space<vmem>> -> memref<64xi32, #tpu.memory_space<vmem>>
    %dma_wait3A_218 = tpu.memref_slice %arg3[%mul3A_2] : memref<320000xi32, #tpu.memory_space<hbm>> -> memref<64xi32, #tpu.memory_space<hbm>>
    %dma_wait3A_219 = arith.constant 0 : i32
    %dma_wait3A_220 = tpu.memref_slice %arg7[%dma_wait3A_214, %dma_wait3A_219] : memref<6x64xi32, #tpu.memory_space<vmem>> -> memref<1x64xi32, #tpu.memory_space<vmem>>
    %dma_wait3A_221 = tpu.memref_squeeze %dma_wait3A_220 : memref<1x64xi32, #tpu.memory_space<vmem>> -> memref<64xi32, #tpu.memory_space<vmem>>
    %dma_wait3A_222 = tpu.memref_slice %arg3[%mul3A_2] : memref<320000xi32, #tpu.memory_space<hbm>> -> memref<64xi32, #tpu.memory_space<hbm>>
    tpu.wait_dma2 semaphore(%arg16 : memref<!tpu.dma_semaphore, #tpu.memory_space<semaphore_mem>>) src(%dma_wait3A_222 : memref<64xi32, #tpu.memory_space<hbm>>) dst(%dma_wait3A_221 : memref<64xi32, #tpu.memory_space<vmem>>)
    %run_scoped3A_223 = arith.constant 1 : i32
    %run_scoped3A_224 = arith.constant 1 : i32
    "tpu.region"() ({
      %run_scoped3A_377 = tpu.sem_alloc : memref<!tpu.dma_semaphore, #tpu.memory_space<semaphore_mem>>
      %dma_start3A_378 = arith.constant 0 : i32
      %dma_start3A_379 = arith.constant 0 : i32
      %dma_start3A_380 = tpu.memref_slice %arg6[%run_scoped3A_223, %dma_start3A_378, %dma_start3A_379] : memref<6x64x128xf32, #tpu.memory_space<vmem>> -> memref<1x64x128xf32, #tpu.memory_space<vmem>>
      %dma_start3A_381 = tpu.memref_squeeze %dma_start3A_380 : memref<1x64x128xf32, #tpu.memory_space<vmem>> -> memref<64x128xf32, #tpu.memory_space<vmem>>
      %dma_start3A_382 = arith.constant 0 : i32
      %dma_start3A_383 = tpu.memref_slice %arg7[%run_scoped3A_224, %dma_start3A_382] : memref<6x64xi32, #tpu.memory_space<vmem>> -> memref<1x64xi32, #tpu.memory_space<vmem>>
      %dma_start3A_384 = tpu.memref_squeeze %dma_start3A_383 : memref<1x64xi32, #tpu.memory_space<vmem>> -> memref<64xi32, #tpu.memory_space<vmem>>
      %dma_start3A_385 = arith.constant 0 : i32
      %dma_start3A_386 = arith.constant 0 : i32
      %dma_start3A_387 = tpu.memref_slice %arg8[%dma_start3A_385, %dma_start3A_386] : memref<10008x128xf32, #tpu.memory_space<vmem_shared>> -> memref<10008x128xf32, #tpu.memory_space<vmem_shared>>
      tpu.enqueue_indirect_dma source(%dma_start3A_381 : memref<64x128xf32, #tpu.memory_space<vmem>>) target(%dma_start3A_387 : memref<10008x128xf32, #tpu.memory_space<vmem_shared>>) offsets(%dma_start3A_384 : memref<64xi32, #tpu.memory_space<vmem>>) semaphore(%run_scoped3A_377 : memref<!tpu.dma_semaphore, #tpu.memory_space<semaphore_mem>>) {add = true}
      %dma_wait3A_388 = arith.constant 0 : i32
      %dma_wait3A_389 = arith.constant 0 : i32
      %dma_wait3A_390 = tpu.memref_slice %arg6[%run_scoped3A_223, %dma_wait3A_388, %dma_wait3A_389] : memref<6x64x128xf32, #tpu.memory_space<vmem>> -> memref<1x64x128xf32, #tpu.memory_space<vmem>>
      %dma_wait3A_391 = tpu.memref_squeeze %dma_wait3A_390 : memref<1x64x128xf32, #tpu.memory_space<vmem>> -> memref<64x128xf32, #tpu.memory_space<vmem>>
      %dma_wait3A_392 = arith.constant 0 : i32
      %dma_wait3A_393 = tpu.memref_slice %arg7[%run_scoped3A_224, %dma_wait3A_392] : memref<6x64xi32, #tpu.memory_space<vmem>> -> memref<1x64xi32, #tpu.memory_space<vmem>>
      %dma_wait3A_394 = tpu.memref_squeeze %dma_wait3A_393 : memref<1x64xi32, #tpu.memory_space<vmem>> -> memref<64xi32, #tpu.memory_space<vmem>>
      %dma_wait3A_395 = arith.constant 0 : i32
      %dma_wait3A_396 = arith.constant 0 : i32
      %dma_wait3A_397 = tpu.memref_slice %arg8[%dma_wait3A_395, %dma_wait3A_396] : memref<10008x128xf32, #tpu.memory_space<vmem_shared>> -> memref<10008x128xf32, #tpu.memory_space<vmem_shared>>
      tpu.wait_indirect_dma semaphore(%run_scoped3A_377 : memref<!tpu.dma_semaphore, #tpu.memory_space<semaphore_mem>>) src(%dma_wait3A_391 : memref<64x128xf32, #tpu.memory_space<vmem>>) dst(%dma_wait3A_397 : memref<10008x128xf32, #tpu.memory_space<vmem_shared>>)
      tpu.yield
    }) : () -> ()
    %dma_wait3A_225 = arith.constant 2 : i32
    %dma_wait3A_226 = arith.constant 0 : i32
    %dma_wait3A_227 = arith.constant 0 : i32
    %dma_wait3A_228 = tpu.memref_slice %arg6[%dma_wait3A_225, %dma_wait3A_226, %dma_wait3A_227] : memref<6x64x128xf32, #tpu.memory_space<vmem>> -> memref<1x64x128xf32, #tpu.memory_space<vmem>>
    %dma_wait3A_229 = tpu.memref_squeeze %dma_wait3A_228 : memref<1x64x128xf32, #tpu.memory_space<vmem>> -> memref<64x128xf32, #tpu.memory_space<vmem>>
    %dma_wait3A_230 = arith.constant 0 : i32
    %dma_wait3A_231 = tpu.memref_slice %arg2[%mul3A_2, %dma_wait3A_230] : memref<320000x128xf32, #tpu.memory_space<hbm>> -> memref<64x128xf32, #tpu.memory_space<hbm>>
    %dma_wait3A_232 = arith.constant 0 : i32
    %dma_wait3A_233 = arith.constant 0 : i32
    %dma_wait3A_234 = tpu.memref_slice %arg6[%dma_wait3A_225, %dma_wait3A_232, %dma_wait3A_233] : memref<6x64x128xf32, #tpu.memory_space<vmem>> -> memref<1x64x128xf32, #tpu.memory_space<vmem>>
    %dma_wait3A_235 = tpu.memref_squeeze %dma_wait3A_234 : memref<1x64x128xf32, #tpu.memory_space<vmem>> -> memref<64x128xf32, #tpu.memory_space<vmem>>
    %dma_wait3A_236 = arith.constant 0 : i32
    %dma_wait3A_237 = tpu.memref_slice %arg2[%mul3A_2, %dma_wait3A_236] : memref<320000x128xf32, #tpu.memory_space<hbm>> -> memref<64x128xf32, #tpu.memory_space<hbm>>
    tpu.wait_dma2 semaphore(%arg11 : memref<!tpu.dma_semaphore, #tpu.memory_space<semaphore_mem>>) src(%dma_wait3A_237 : memref<64x128xf32, #tpu.memory_space<hbm>>) dst(%dma_wait3A_235 : memref<64x128xf32, #tpu.memory_space<vmem>>)
    %dma_wait3A_238 = arith.constant 2 : i32
    %dma_wait3A_239 = arith.constant 0 : i32
    %dma_wait3A_240 = tpu.memref_slice %arg7[%dma_wait3A_238, %dma_wait3A_239] : memref<6x64xi32, #tpu.memory_space<vmem>> -> memref<1x64xi32, #tpu.memory_space<vmem>>
    %dma_wait3A_241 = tpu.memref_squeeze %dma_wait3A_240 : memref<1x64xi32, #tpu.memory_space<vmem>> -> memref<64xi32, #tpu.memory_space<vmem>>
    %dma_wait3A_242 = tpu.memref_slice %arg3[%mul3A_2] : memref<320000xi32, #tpu.memory_space<hbm>> -> memref<64xi32, #tpu.memory_space<hbm>>
    %dma_wait3A_243 = arith.constant 0 : i32
    %dma_wait3A_244 = tpu.memref_slice %arg7[%dma_wait3A_238, %dma_wait3A_243] : memref<6x64xi32, #tpu.memory_space<vmem>> -> memref<1x64xi32, #tpu.memory_space<vmem>>
    %dma_wait3A_245 = tpu.memref_squeeze %dma_wait3A_244 : memref<1x64xi32, #tpu.memory_space<vmem>> -> memref<64xi32, #tpu.memory_space<vmem>>
    %dma_wait3A_246 = tpu.memref_slice %arg3[%mul3A_2] : memref<320000xi32, #tpu.memory_space<hbm>> -> memref<64xi32, #tpu.memory_space<hbm>>
    tpu.wait_dma2 semaphore(%arg17 : memref<!tpu.dma_semaphore, #tpu.memory_space<semaphore_mem>>) src(%dma_wait3A_246 : memref<64xi32, #tpu.memory_space<hbm>>) dst(%dma_wait3A_245 : memref<64xi32, #tpu.memory_space<vmem>>)
    %run_scoped3A_247 = arith.constant 2 : i32
    %run_scoped3A_248 = arith.constant 2 : i32
    "tpu.region"() ({
      %run_scoped3A_377 = tpu.sem_alloc : memref<!tpu.dma_semaphore, #tpu.memory_space<semaphore_mem>>
      %dma_start3A_378 = arith.constant 0 : i32
      %dma_start3A_379 = arith.constant 0 : i32
      %dma_start3A_380 = tpu.memref_slice %arg6[%run_scoped3A_247, %dma_start3A_378, %dma_start3A_379] : memref<6x64x128xf32, #tpu.memory_space<vmem>> -> memref<1x64x128xf32, #tpu.memory_space<vmem>>
      %dma_start3A_381 = tpu.memref_squeeze %dma_start3A_380 : memref<1x64x128xf32, #tpu.memory_space<vmem>> -> memref<64x128xf32, #tpu.memory_space<vmem>>
      %dma_start3A_382 = arith.constant 0 : i32
      %dma_start3A_383 = tpu.memref_slice %arg7[%run_scoped3A_248, %dma_start3A_382] : memref<6x64xi32, #tpu.memory_space<vmem>> -> memref<1x64xi32, #tpu.memory_space<vmem>>
      %dma_start3A_384 = tpu.memref_squeeze %dma_start3A_383 : memref<1x64xi32, #tpu.memory_space<vmem>> -> memref<64xi32, #tpu.memory_space<vmem>>
      %dma_start3A_385 = arith.constant 0 : i32
      %dma_start3A_386 = arith.constant 0 : i32
      %dma_start3A_387 = tpu.memref_slice %arg8[%dma_start3A_385, %dma_start3A_386] : memref<10008x128xf32, #tpu.memory_space<vmem_shared>> -> memref<10008x128xf32, #tpu.memory_space<vmem_shared>>
      tpu.enqueue_indirect_dma source(%dma_start3A_381 : memref<64x128xf32, #tpu.memory_space<vmem>>) target(%dma_start3A_387 : memref<10008x128xf32, #tpu.memory_space<vmem_shared>>) offsets(%dma_start3A_384 : memref<64xi32, #tpu.memory_space<vmem>>) semaphore(%run_scoped3A_377 : memref<!tpu.dma_semaphore, #tpu.memory_space<semaphore_mem>>) {add = true}
      %dma_wait3A_388 = arith.constant 0 : i32
      %dma_wait3A_389 = arith.constant 0 : i32
      %dma_wait3A_390 = tpu.memref_slice %arg6[%run_scoped3A_247, %dma_wait3A_388, %dma_wait3A_389] : memref<6x64x128xf32, #tpu.memory_space<vmem>> -> memref<1x64x128xf32, #tpu.memory_space<vmem>>
      %dma_wait3A_391 = tpu.memref_squeeze %dma_wait3A_390 : memref<1x64x128xf32, #tpu.memory_space<vmem>> -> memref<64x128xf32, #tpu.memory_space<vmem>>
      %dma_wait3A_392 = arith.constant 0 : i32
      %dma_wait3A_393 = tpu.memref_slice %arg7[%run_scoped3A_248, %dma_wait3A_392] : memref<6x64xi32, #tpu.memory_space<vmem>> -> memref<1x64xi32, #tpu.memory_space<vmem>>
      %dma_wait3A_394 = tpu.memref_squeeze %dma_wait3A_393 : memref<1x64xi32, #tpu.memory_space<vmem>> -> memref<64xi32, #tpu.memory_space<vmem>>
      %dma_wait3A_395 = arith.constant 0 : i32
      %dma_wait3A_396 = arith.constant 0 : i32
      %dma_wait3A_397 = tpu.memref_slice %arg8[%dma_wait3A_395, %dma_wait3A_396] : memref<10008x128xf32, #tpu.memory_space<vmem_shared>> -> memref<10008x128xf32, #tpu.memory_space<vmem_shared>>
      tpu.wait_indirect_dma semaphore(%run_scoped3A_377 : memref<!tpu.dma_semaphore, #tpu.memory_space<semaphore_mem>>) src(%dma_wait3A_391 : memref<64x128xf32, #tpu.memory_space<vmem>>) dst(%dma_wait3A_397 : memref<10008x128xf32, #tpu.memory_space<vmem_shared>>)
      tpu.yield
    }) : () -> ()
    %dma_wait3A_249 = arith.constant 3 : i32
    %dma_wait3A_250 = arith.constant 0 : i32
    %dma_wait3A_251 = arith.constant 0 : i32
    %dma_wait3A_252 = tpu.memref_slice %arg6[%dma_wait3A_249, %dma_wait3A_250, %dma_wait3A_251] : memref<6x64x128xf32, #tpu.memory_space<vmem>> -> memref<1x64x128xf32, #tpu.memory_space<vmem>>
    %dma_wait3A_253 = tpu.memref_squeeze %dma_wait3A_252 : memref<1x64x128xf32, #tpu.memory_space<vmem>> -> memref<64x128xf32, #tpu.memory_space<vmem>>
    %dma_wait3A_254 = arith.constant 0 : i32
    %dma_wait3A_255 = tpu.memref_slice %arg2[%mul3A_2, %dma_wait3A_254] : memref<320000x128xf32, #tpu.memory_space<hbm>> -> memref<64x128xf32, #tpu.memory_space<hbm>>
    %dma_wait3A_256 = arith.constant 0 : i32
    %dma_wait3A_257 = arith.constant 0 : i32
    %dma_wait3A_258 = tpu.memref_slice %arg6[%dma_wait3A_249, %dma_wait3A_256, %dma_wait3A_257] : memref<6x64x128xf32, #tpu.memory_space<vmem>> -> memref<1x64x128xf32, #tpu.memory_space<vmem>>
    %dma_wait3A_259 = tpu.memref_squeeze %dma_wait3A_258 : memref<1x64x128xf32, #tpu.memory_space<vmem>> -> memref<64x128xf32, #tpu.memory_space<vmem>>
    %dma_wait3A_260 = arith.constant 0 : i32
    %dma_wait3A_261 = tpu.memref_slice %arg2[%mul3A_2, %dma_wait3A_260] : memref<320000x128xf32, #tpu.memory_space<hbm>> -> memref<64x128xf32, #tpu.memory_space<hbm>>
    tpu.wait_dma2 semaphore(%arg12 : memref<!tpu.dma_semaphore, #tpu.memory_space<semaphore_mem>>) src(%dma_wait3A_261 : memref<64x128xf32, #tpu.memory_space<hbm>>) dst(%dma_wait3A_259 : memref<64x128xf32, #tpu.memory_space<vmem>>)
    %dma_wait3A_262 = arith.constant 3 : i32
    %dma_wait3A_263 = arith.constant 0 : i32
    %dma_wait3A_264 = tpu.memref_slice %arg7[%dma_wait3A_262, %dma_wait3A_263] : memref<6x64xi32, #tpu.memory_space<vmem>> -> memref<1x64xi32, #tpu.memory_space<vmem>>
    %dma_wait3A_265 = tpu.memref_squeeze %dma_wait3A_264 : memref<1x64xi32, #tpu.memory_space<vmem>> -> memref<64xi32, #tpu.memory_space<vmem>>
    %dma_wait3A_266 = tpu.memref_slice %arg3[%mul3A_2] : memref<320000xi32, #tpu.memory_space<hbm>> -> memref<64xi32, #tpu.memory_space<hbm>>
    %dma_wait3A_267 = arith.constant 0 : i32
    %dma_wait3A_268 = tpu.memref_slice %arg7[%dma_wait3A_262, %dma_wait3A_267] : memref<6x64xi32, #tpu.memory_space<vmem>> -> memref<1x64xi32, #tpu.memory_space<vmem>>
    %dma_wait3A_269 = tpu.memref_squeeze %dma_wait3A_268 : memref<1x64xi32, #tpu.memory_space<vmem>> -> memref<64xi32, #tpu.memory_space<vmem>>
    %dma_wait3A_270 = tpu.memref_slice %arg3[%mul3A_2] : memref<320000xi32, #tpu.memory_space<hbm>> -> memref<64xi32, #tpu.memory_space<hbm>>
    tpu.wait_dma2 semaphore(%arg18 : memref<!tpu.dma_semaphore, #tpu.memory_space<semaphore_mem>>) src(%dma_wait3A_270 : memref<64xi32, #tpu.memory_space<hbm>>) dst(%dma_wait3A_269 : memref<64xi32, #tpu.memory_space<vmem>>)
    %run_scoped3A_271 = arith.constant 3 : i32
    %run_scoped3A_272 = arith.constant 3 : i32
    "tpu.region"() ({
      %run_scoped3A_377 = tpu.sem_alloc : memref<!tpu.dma_semaphore, #tpu.memory_space<semaphore_mem>>
      %dma_start3A_378 = arith.constant 0 : i32
      %dma_start3A_379 = arith.constant 0 : i32
      %dma_start3A_380 = tpu.memref_slice %arg6[%run_scoped3A_271, %dma_start3A_378, %dma_start3A_379] : memref<6x64x128xf32, #tpu.memory_space<vmem>> -> memref<1x64x128xf32, #tpu.memory_space<vmem>>
      %dma_start3A_381 = tpu.memref_squeeze %dma_start3A_380 : memref<1x64x128xf32, #tpu.memory_space<vmem>> -> memref<64x128xf32, #tpu.memory_space<vmem>>
      %dma_start3A_382 = arith.constant 0 : i32
      %dma_start3A_383 = tpu.memref_slice %arg7[%run_scoped3A_272, %dma_start3A_382] : memref<6x64xi32, #tpu.memory_space<vmem>> -> memref<1x64xi32, #tpu.memory_space<vmem>>
      %dma_start3A_384 = tpu.memref_squeeze %dma_start3A_383 : memref<1x64xi32, #tpu.memory_space<vmem>> -> memref<64xi32, #tpu.memory_space<vmem>>
      %dma_start3A_385 = arith.constant 0 : i32
      %dma_start3A_386 = arith.constant 0 : i32
      %dma_start3A_387 = tpu.memref_slice %arg8[%dma_start3A_385, %dma_start3A_386] : memref<10008x128xf32, #tpu.memory_space<vmem_shared>> -> memref<10008x128xf32, #tpu.memory_space<vmem_shared>>
      tpu.enqueue_indirect_dma source(%dma_start3A_381 : memref<64x128xf32, #tpu.memory_space<vmem>>) target(%dma_start3A_387 : memref<10008x128xf32, #tpu.memory_space<vmem_shared>>) offsets(%dma_start3A_384 : memref<64xi32, #tpu.memory_space<vmem>>) semaphore(%run_scoped3A_377 : memref<!tpu.dma_semaphore, #tpu.memory_space<semaphore_mem>>) {add = true}
      %dma_wait3A_388 = arith.constant 0 : i32
      %dma_wait3A_389 = arith.constant 0 : i32
      %dma_wait3A_390 = tpu.memref_slice %arg6[%run_scoped3A_271, %dma_wait3A_388, %dma_wait3A_389] : memref<6x64x128xf32, #tpu.memory_space<vmem>> -> memref<1x64x128xf32, #tpu.memory_space<vmem>>
      %dma_wait3A_391 = tpu.memref_squeeze %dma_wait3A_390 : memref<1x64x128xf32, #tpu.memory_space<vmem>> -> memref<64x128xf32, #tpu.memory_space<vmem>>
      %dma_wait3A_392 = arith.constant 0 : i32
      %dma_wait3A_393 = tpu.memref_slice %arg7[%run_scoped3A_272, %dma_wait3A_392] : memref<6x64xi32, #tpu.memory_space<vmem>> -> memref<1x64xi32, #tpu.memory_space<vmem>>
      %dma_wait3A_394 = tpu.memref_squeeze %dma_wait3A_393 : memref<1x64xi32, #tpu.memory_space<vmem>> -> memref<64xi32, #tpu.memory_space<vmem>>
      %dma_wait3A_395 = arith.constant 0 : i32
      %dma_wait3A_396 = arith.constant 0 : i32
      %dma_wait3A_397 = tpu.memref_slice %arg8[%dma_wait3A_395, %dma_wait3A_396] : memref<10008x128xf32, #tpu.memory_space<vmem_shared>> -> memref<10008x128xf32, #tpu.memory_space<vmem_shared>>
      tpu.wait_indirect_dma semaphore(%run_scoped3A_377 : memref<!tpu.dma_semaphore, #tpu.memory_space<semaphore_mem>>) src(%dma_wait3A_391 : memref<64x128xf32, #tpu.memory_space<vmem>>) dst(%dma_wait3A_397 : memref<10008x128xf32, #tpu.memory_space<vmem_shared>>)
      tpu.yield
    }) : () -> ()
    %dma_wait3A_273 = arith.constant 4 : i32
    %dma_wait3A_274 = arith.constant 0 : i32
    %dma_wait3A_275 = arith.constant 0 : i32
    %dma_wait3A_276 = tpu.memref_slice %arg6[%dma_wait3A_273, %dma_wait3A_274, %dma_wait3A_275] : memref<6x64x128xf32, #tpu.memory_space<vmem>> -> memref<1x64x128xf32, #tpu.memory_space<vmem>>
    %dma_wait3A_277 = tpu.memref_squeeze %dma_wait3A_276 : memref<1x64x128xf32, #tpu.memory_space<vmem>> -> memref<64x128xf32, #tpu.memory_space<vmem>>
    %dma_wait3A_278 = arith.constant 0 : i32
    %dma_wait3A_279 = tpu.memref_slice %arg2[%mul3A_2, %dma_wait3A_278] : memref<320000x128xf32, #tpu.memory_space<hbm>> -> memref<64x128xf32, #tpu.memory_space<hbm>>
    %dma_wait3A_280 = arith.constant 0 : i32
    %dma_wait3A_281 = arith.constant 0 : i32
    %dma_wait3A_282 = tpu.memref_slice %arg6[%dma_wait3A_273, %dma_wait3A_280, %dma_wait3A_281] : memref<6x64x128xf32, #tpu.memory_space<vmem>> -> memref<1x64x128xf32, #tpu.memory_space<vmem>>
    %dma_wait3A_283 = tpu.memref_squeeze %dma_wait3A_282 : memref<1x64x128xf32, #tpu.memory_space<vmem>> -> memref<64x128xf32, #tpu.memory_space<vmem>>
    %dma_wait3A_284 = arith.constant 0 : i32
    %dma_wait3A_285 = tpu.memref_slice %arg2[%mul3A_2, %dma_wait3A_284] : memref<320000x128xf32, #tpu.memory_space<hbm>> -> memref<64x128xf32, #tpu.memory_space<hbm>>
    tpu.wait_dma2 semaphore(%arg13 : memref<!tpu.dma_semaphore, #tpu.memory_space<semaphore_mem>>) src(%dma_wait3A_285 : memref<64x128xf32, #tpu.memory_space<hbm>>) dst(%dma_wait3A_283 : memref<64x128xf32, #tpu.memory_space<vmem>>)
    %dma_wait3A_286 = arith.constant 4 : i32
    %dma_wait3A_287 = arith.constant 0 : i32
    %dma_wait3A_288 = tpu.memref_slice %arg7[%dma_wait3A_286, %dma_wait3A_287] : memref<6x64xi32, #tpu.memory_space<vmem>> -> memref<1x64xi32, #tpu.memory_space<vmem>>
    %dma_wait3A_289 = tpu.memref_squeeze %dma_wait3A_288 : memref<1x64xi32, #tpu.memory_space<vmem>> -> memref<64xi32, #tpu.memory_space<vmem>>
    %dma_wait3A_290 = tpu.memref_slice %arg3[%mul3A_2] : memref<320000xi32, #tpu.memory_space<hbm>> -> memref<64xi32, #tpu.memory_space<hbm>>
    %dma_wait3A_291 = arith.constant 0 : i32
    %dma_wait3A_292 = tpu.memref_slice %arg7[%dma_wait3A_286, %dma_wait3A_291] : memref<6x64xi32, #tpu.memory_space<vmem>> -> memref<1x64xi32, #tpu.memory_space<vmem>>
    %dma_wait3A_293 = tpu.memref_squeeze %dma_wait3A_292 : memref<1x64xi32, #tpu.memory_space<vmem>> -> memref<64xi32, #tpu.memory_space<vmem>>
    %dma_wait3A_294 = tpu.memref_slice %arg3[%mul3A_2] : memref<320000xi32, #tpu.memory_space<hbm>> -> memref<64xi32, #tpu.memory_space<hbm>>
    tpu.wait_dma2 semaphore(%arg19 : memref<!tpu.dma_semaphore, #tpu.memory_space<semaphore_mem>>) src(%dma_wait3A_294 : memref<64xi32, #tpu.memory_space<hbm>>) dst(%dma_wait3A_293 : memref<64xi32, #tpu.memory_space<vmem>>)
    %run_scoped3A_295 = arith.constant 4 : i32
    %run_scoped3A_296 = arith.constant 4 : i32
    "tpu.region"() ({
      %run_scoped3A_377 = tpu.sem_alloc : memref<!tpu.dma_semaphore, #tpu.memory_space<semaphore_mem>>
      %dma_start3A_378 = arith.constant 0 : i32
      %dma_start3A_379 = arith.constant 0 : i32
      %dma_start3A_380 = tpu.memref_slice %arg6[%run_scoped3A_295, %dma_start3A_378, %dma_start3A_379] : memref<6x64x128xf32, #tpu.memory_space<vmem>> -> memref<1x64x128xf32, #tpu.memory_space<vmem>>
      %dma_start3A_381 = tpu.memref_squeeze %dma_start3A_380 : memref<1x64x128xf32, #tpu.memory_space<vmem>> -> memref<64x128xf32, #tpu.memory_space<vmem>>
      %dma_start3A_382 = arith.constant 0 : i32
      %dma_start3A_383 = tpu.memref_slice %arg7[%run_scoped3A_296, %dma_start3A_382] : memref<6x64xi32, #tpu.memory_space<vmem>> -> memref<1x64xi32, #tpu.memory_space<vmem>>
      %dma_start3A_384 = tpu.memref_squeeze %dma_start3A_383 : memref<1x64xi32, #tpu.memory_space<vmem>> -> memref<64xi32, #tpu.memory_space<vmem>>
      %dma_start3A_385 = arith.constant 0 : i32
      %dma_start3A_386 = arith.constant 0 : i32
      %dma_start3A_387 = tpu.memref_slice %arg8[%dma_start3A_385, %dma_start3A_386] : memref<10008x128xf32, #tpu.memory_space<vmem_shared>> -> memref<10008x128xf32, #tpu.memory_space<vmem_shared>>
      tpu.enqueue_indirect_dma source(%dma_start3A_381 : memref<64x128xf32, #tpu.memory_space<vmem>>) target(%dma_start3A_387 : memref<10008x128xf32, #tpu.memory_space<vmem_shared>>) offsets(%dma_start3A_384 : memref<64xi32, #tpu.memory_space<vmem>>) semaphore(%run_scoped3A_377 : memref<!tpu.dma_semaphore, #tpu.memory_space<semaphore_mem>>) {add = true}
      %dma_wait3A_388 = arith.constant 0 : i32
      %dma_wait3A_389 = arith.constant 0 : i32
      %dma_wait3A_390 = tpu.memref_slice %arg6[%run_scoped3A_295, %dma_wait3A_388, %dma_wait3A_389] : memref<6x64x128xf32, #tpu.memory_space<vmem>> -> memref<1x64x128xf32, #tpu.memory_space<vmem>>
      %dma_wait3A_391 = tpu.memref_squeeze %dma_wait3A_390 : memref<1x64x128xf32, #tpu.memory_space<vmem>> -> memref<64x128xf32, #tpu.memory_space<vmem>>
      %dma_wait3A_392 = arith.constant 0 : i32
      %dma_wait3A_393 = tpu.memref_slice %arg7[%run_scoped3A_296, %dma_wait3A_392] : memref<6x64xi32, #tpu.memory_space<vmem>> -> memref<1x64xi32, #tpu.memory_space<vmem>>
      %dma_wait3A_394 = tpu.memref_squeeze %dma_wait3A_393 : memref<1x64xi32, #tpu.memory_space<vmem>> -> memref<64xi32, #tpu.memory_space<vmem>>
      %dma_wait3A_395 = arith.constant 0 : i32
      %dma_wait3A_396 = arith.constant 0 : i32
      %dma_wait3A_397 = tpu.memref_slice %arg8[%dma_wait3A_395, %dma_wait3A_396] : memref<10008x128xf32, #tpu.memory_space<vmem_shared>> -> memref<10008x128xf32, #tpu.memory_space<vmem_shared>>
      tpu.wait_indirect_dma semaphore(%run_scoped3A_377 : memref<!tpu.dma_semaphore, #tpu.memory_space<semaphore_mem>>) src(%dma_wait3A_391 : memref<64x128xf32, #tpu.memory_space<vmem>>) dst(%dma_wait3A_397 : memref<10008x128xf32, #tpu.memory_space<vmem_shared>>)
      tpu.yield
    }) : () -> ()
    %dma_wait3A_297 = arith.constant 5 : i32
    %dma_wait3A_298 = arith.constant 0 : i32
    %dma_wait3A_299 = arith.constant 0 : i32
    %dma_wait3A_300 = tpu.memref_slice %arg6[%dma_wait3A_297, %dma_wait3A_298, %dma_wait3A_299] : memref<6x64x128xf32, #tpu.memory_space<vmem>> -> memref<1x64x128xf32, #tpu.memory_space<vmem>>
    %dma_wait3A_301 = tpu.memref_squeeze %dma_wait3A_300 : memref<1x64x128xf32, #tpu.memory_space<vmem>> -> memref<64x128xf32, #tpu.memory_space<vmem>>
    %dma_wait3A_302 = arith.constant 0 : i32
    %dma_wait3A_303 = tpu.memref_slice %arg2[%mul3A_2, %dma_wait3A_302] : memref<320000x128xf32, #tpu.memory_space<hbm>> -> memref<64x128xf32, #tpu.memory_space<hbm>>
    %dma_wait3A_304 = arith.constant 0 : i32
    %dma_wait3A_305 = arith.constant 0 : i32
    %dma_wait3A_306 = tpu.memref_slice %arg6[%dma_wait3A_297, %dma_wait3A_304, %dma_wait3A_305] : memref<6x64x128xf32, #tpu.memory_space<vmem>> -> memref<1x64x128xf32, #tpu.memory_space<vmem>>
    %dma_wait3A_307 = tpu.memref_squeeze %dma_wait3A_306 : memref<1x64x128xf32, #tpu.memory_space<vmem>> -> memref<64x128xf32, #tpu.memory_space<vmem>>
    %dma_wait3A_308 = arith.constant 0 : i32
    %dma_wait3A_309 = tpu.memref_slice %arg2[%mul3A_2, %dma_wait3A_308] : memref<320000x128xf32, #tpu.memory_space<hbm>> -> memref<64x128xf32, #tpu.memory_space<hbm>>
    tpu.wait_dma2 semaphore(%arg14 : memref<!tpu.dma_semaphore, #tpu.memory_space<semaphore_mem>>) src(%dma_wait3A_309 : memref<64x128xf32, #tpu.memory_space<hbm>>) dst(%dma_wait3A_307 : memref<64x128xf32, #tpu.memory_space<vmem>>)
    %dma_wait3A_310 = arith.constant 5 : i32
    %dma_wait3A_311 = arith.constant 0 : i32
    %dma_wait3A_312 = tpu.memref_slice %arg7[%dma_wait3A_310, %dma_wait3A_311] : memref<6x64xi32, #tpu.memory_space<vmem>> -> memref<1x64xi32, #tpu.memory_space<vmem>>
    %dma_wait3A_313 = tpu.memref_squeeze %dma_wait3A_312 : memref<1x64xi32, #tpu.memory_space<vmem>> -> memref<64xi32, #tpu.memory_space<vmem>>
    %dma_wait3A_314 = tpu.memref_slice %arg3[%mul3A_2] : memref<320000xi32, #tpu.memory_space<hbm>> -> memref<64xi32, #tpu.memory_space<hbm>>
    %dma_wait3A_315 = arith.constant 0 : i32
    %dma_wait3A_316 = tpu.memref_slice %arg7[%dma_wait3A_310, %dma_wait3A_315] : memref<6x64xi32, #tpu.memory_space<vmem>> -> memref<1x64xi32, #tpu.memory_space<vmem>>
    %dma_wait3A_317 = tpu.memref_squeeze %dma_wait3A_316 : memref<1x64xi32, #tpu.memory_space<vmem>> -> memref<64xi32, #tpu.memory_space<vmem>>
    %dma_wait3A_318 = tpu.memref_slice %arg3[%mul3A_2] : memref<320000xi32, #tpu.memory_space<hbm>> -> memref<64xi32, #tpu.memory_space<hbm>>
    tpu.wait_dma2 semaphore(%arg20 : memref<!tpu.dma_semaphore, #tpu.memory_space<semaphore_mem>>) src(%dma_wait3A_318 : memref<64xi32, #tpu.memory_space<hbm>>) dst(%dma_wait3A_317 : memref<64xi32, #tpu.memory_space<vmem>>)
    %run_scoped3A_319 = arith.constant 5 : i32
    %run_scoped3A_320 = arith.constant 5 : i32
    "tpu.region"() ({
      %run_scoped3A_377 = tpu.sem_alloc : memref<!tpu.dma_semaphore, #tpu.memory_space<semaphore_mem>>
      %dma_start3A_378 = arith.constant 0 : i32
      %dma_start3A_379 = arith.constant 0 : i32
      %dma_start3A_380 = tpu.memref_slice %arg6[%run_scoped3A_319, %dma_start3A_378, %dma_start3A_379] : memref<6x64x128xf32, #tpu.memory_space<vmem>> -> memref<1x64x128xf32, #tpu.memory_space<vmem>>
      %dma_start3A_381 = tpu.memref_squeeze %dma_start3A_380 : memref<1x64x128xf32, #tpu.memory_space<vmem>> -> memref<64x128xf32, #tpu.memory_space<vmem>>
      %dma_start3A_382 = arith.constant 0 : i32
      %dma_start3A_383 = tpu.memref_slice %arg7[%run_scoped3A_320, %dma_start3A_382] : memref<6x64xi32, #tpu.memory_space<vmem>> -> memref<1x64xi32, #tpu.memory_space<vmem>>
      %dma_start3A_384 = tpu.memref_squeeze %dma_start3A_383 : memref<1x64xi32, #tpu.memory_space<vmem>> -> memref<64xi32, #tpu.memory_space<vmem>>
      %dma_start3A_385 = arith.constant 0 : i32
      %dma_start3A_386 = arith.constant 0 : i32
      %dma_start3A_387 = tpu.memref_slice %arg8[%dma_start3A_385, %dma_start3A_386] : memref<10008x128xf32, #tpu.memory_space<vmem_shared>> -> memref<10008x128xf32, #tpu.memory_space<vmem_shared>>
      tpu.enqueue_indirect_dma source(%dma_start3A_381 : memref<64x128xf32, #tpu.memory_space<vmem>>) target(%dma_start3A_387 : memref<10008x128xf32, #tpu.memory_space<vmem_shared>>) offsets(%dma_start3A_384 : memref<64xi32, #tpu.memory_space<vmem>>) semaphore(%run_scoped3A_377 : memref<!tpu.dma_semaphore, #tpu.memory_space<semaphore_mem>>) {add = true}
      %dma_wait3A_388 = arith.constant 0 : i32
      %dma_wait3A_389 = arith.constant 0 : i32
      %dma_wait3A_390 = tpu.memref_slice %arg6[%run_scoped3A_319, %dma_wait3A_388, %dma_wait3A_389] : memref<6x64x128xf32, #tpu.memory_space<vmem>> -> memref<1x64x128xf32, #tpu.memory_space<vmem>>
      %dma_wait3A_391 = tpu.memref_squeeze %dma_wait3A_390 : memref<1x64x128xf32, #tpu.memory_space<vmem>> -> memref<64x128xf32, #tpu.memory_space<vmem>>
      %dma_wait3A_392 = arith.constant 0 : i32
      %dma_wait3A_393 = tpu.memref_slice %arg7[%run_scoped3A_320, %dma_wait3A_392] : memref<6x64xi32, #tpu.memory_space<vmem>> -> memref<1x64xi32, #tpu.memory_space<vmem>>
      %dma_wait3A_394 = tpu.memref_squeeze %dma_wait3A_393 : memref<1x64xi32, #tpu.memory_space<vmem>> -> memref<64xi32, #tpu.memory_space<vmem>>
      %dma_wait3A_395 = arith.constant 0 : i32
      %dma_wait3A_396 = arith.constant 0 : i32
      %dma_wait3A_397 = tpu.memref_slice %arg8[%dma_wait3A_395, %dma_wait3A_396] : memref<10008x128xf32, #tpu.memory_space<vmem_shared>> -> memref<10008x128xf32, #tpu.memory_space<vmem_shared>>
      tpu.wait_indirect_dma semaphore(%run_scoped3A_377 : memref<!tpu.dma_semaphore, #tpu.memory_space<semaphore_mem>>) src(%dma_wait3A_391 : memref<64x128xf32, #tpu.memory_space<vmem>>) dst(%dma_wait3A_397 : memref<10008x128xf32, #tpu.memory_space<vmem_shared>>)
      tpu.yield
    }) : () -> ()
    %dma_wait3A_321 = arith.constant 0 : i32
    %dma_wait3A_322 = arith.constant 0 : i32
    %dma_wait3A_323 = arith.constant 0 : i32
    %dma_wait3A_324 = tpu.memref_slice %arg6[%dma_wait3A_321, %dma_wait3A_322, %dma_wait3A_323] : memref<6x64x128xf32, #tpu.memory_space<vmem>> -> memref<1x64x128xf32, #tpu.memory_space<vmem>>
    %dma_wait3A_325 = tpu.memref_squeeze %dma_wait3A_324 : memref<1x64x128xf32, #tpu.memory_space<vmem>> -> memref<64x128xf32, #tpu.memory_space<vmem>>
    %dma_wait3A_326 = arith.constant 0 : i32
    %dma_wait3A_327 = tpu.memref_slice %arg2[%mul3A_2, %dma_wait3A_326] : memref<320000x128xf32, #tpu.memory_space<hbm>> -> memref<64x128xf32, #tpu.memory_space<hbm>>
    %dma_wait3A_328 = arith.constant 0 : i32
    %dma_wait3A_329 = arith.constant 0 : i32
    %dma_wait3A_330 = tpu.memref_slice %arg6[%dma_wait3A_321, %dma_wait3A_328, %dma_wait3A_329] : memref<6x64x128xf32, #tpu.memory_space<vmem>> -> memref<1x64x128xf32, #tpu.memory_space<vmem>>
    %dma_wait3A_331 = tpu.memref_squeeze %dma_wait3A_330 : memref<1x64x128xf32, #tpu.memory_space<vmem>> -> memref<64x128xf32, #tpu.memory_space<vmem>>
    %dma_wait3A_332 = arith.constant 0 : i32
    %dma_wait3A_333 = tpu.memref_slice %arg2[%mul3A_2, %dma_wait3A_332] : memref<320000x128xf32, #tpu.memory_space<hbm>> -> memref<64x128xf32, #tpu.memory_space<hbm>>
    tpu.wait_dma2 semaphore(%arg9 : memref<!tpu.dma_semaphore, #tpu.memory_space<semaphore_mem>>) src(%dma_wait3A_333 : memref<64x128xf32, #tpu.memory_space<hbm>>) dst(%dma_wait3A_331 : memref<64x128xf32, #tpu.memory_space<vmem>>)
    %dma_wait3A_334 = arith.constant 0 : i32
    %dma_wait3A_335 = arith.constant 0 : i32
    %dma_wait3A_336 = tpu.memref_slice %arg7[%dma_wait3A_334, %dma_wait3A_335] : memref<6x64xi32, #tpu.memory_space<vmem>> -> memref<1x64xi32, #tpu.memory_space<vmem>>
    %dma_wait3A_337 = tpu.memref_squeeze %dma_wait3A_336 : memref<1x64xi32, #tpu.memory_space<vmem>> -> memref<64xi32, #tpu.memory_space<vmem>>
    %dma_wait3A_338 = tpu.memref_slice %arg3[%mul3A_2] : memref<320000xi32, #tpu.memory_space<hbm>> -> memref<64xi32, #tpu.memory_space<hbm>>
    %dma_wait3A_339 = arith.constant 0 : i32
    %dma_wait3A_340 = tpu.memref_slice %arg7[%dma_wait3A_334, %dma_wait3A_339] : memref<6x64xi32, #tpu.memory_space<vmem>> -> memref<1x64xi32, #tpu.memory_space<vmem>>
    %dma_wait3A_341 = tpu.memref_squeeze %dma_wait3A_340 : memref<1x64xi32, #tpu.memory_space<vmem>> -> memref<64xi32, #tpu.memory_space<vmem>>
    %dma_wait3A_342 = tpu.memref_slice %arg3[%mul3A_2] : memref<320000xi32, #tpu.memory_space<hbm>> -> memref<64xi32, #tpu.memory_space<hbm>>
    tpu.wait_dma2 semaphore(%arg15 : memref<!tpu.dma_semaphore, #tpu.memory_space<semaphore_mem>>) src(%dma_wait3A_342 : memref<64xi32, #tpu.memory_space<hbm>>) dst(%dma_wait3A_341 : memref<64xi32, #tpu.memory_space<vmem>>)
    %broadcast_in_dim3A = arith.constant 10000 : i32
    %broadcast_in_dim3A_343 = vector.broadcast %broadcast_in_dim3A : i32 to vector<16xi32>
    %swap3A = arith.constant 0 : i32
    %swap3A_344 = arith.index_cast %swap3A : i32 to index
    %swap3A_345 = arith.constant 0 : index
    %swap3A_346 = tpu.vector_load %arg7[%swap3A_344, %swap3A_345] {strides = array<i32>} : memref<6x64xi32, #tpu.memory_space<vmem>>, vector<1x16xi32>,
    %swap3A_347 = vector.shape_cast %swap3A_346 : vector<1x16xi32> to vector<16xi32>
    %swap3A_348 = vector.shape_cast %broadcast_in_dim3A_343 : vector<16xi32> to vector<1x16xi32>
    tpu.vector_store %arg7[%swap3A_344, %swap3A_345], %swap3A_348 {strides = array<i32>} : memref<6x64xi32, #tpu.memory_space<vmem>>, vector<1x16xi32>,
    %broadcast_in_dim3A_349 = arith.constant 10000 : i32
    %broadcast_in_dim3A_350 = vector.broadcast %broadcast_in_dim3A_349 : i32 to vector<16xi32>
    %swap3A_351 = arith.constant 0 : i32
    %swap3A_352 = arith.index_cast %swap3A_351 : i32 to index
    %swap3A_353 = arith.constant 16 : index
    %swap3A_354 = tpu.vector_load %arg7[%swap3A_352, %swap3A_353] {strides = array<i32>} : memref<6x64xi32, #tpu.memory_space<vmem>>, vector<1x16xi32>,
    %swap3A_355 = vector.shape_cast %swap3A_354 : vector<1x16xi32> to vector<16xi32>
    %swap3A_356 = vector.shape_cast %broadcast_in_dim3A_350 : vector<16xi32> to vector<1x16xi32>
    tpu.vector_store %arg7[%swap3A_352, %swap3A_353], %swap3A_356 {strides = array<i32>} : memref<6x64xi32, #tpu.memory_space<vmem>>, vector<1x16xi32>,
    %broadcast_in_dim3A_357 = arith.constant 10000 : i32
    %broadcast_in_dim3A_358 = vector.broadcast %broadcast_in_dim3A_357 : i32 to vector<16xi32>
    %swap3A_359 = arith.constant 0 : i32
    %swap3A_360 = arith.index_cast %swap3A_359 : i32 to index
    %swap3A_361 = arith.constant 32 : index
    %swap3A_362 = tpu.vector_load %arg7[%swap3A_360, %swap3A_361] {strides = array<i32>} : memref<6x64xi32, #tpu.memory_space<vmem>>, vector<1x16xi32>,
    %swap3A_363 = vector.shape_cast %swap3A_362 : vector<1x16xi32> to vector<16xi32>
    %swap3A_364 = vector.shape_cast %broadcast_in_dim3A_358 : vector<16xi32> to vector<1x16xi32>
    tpu.vector_store %arg7[%swap3A_360, %swap3A_361], %swap3A_364 {strides = array<i32>} : memref<6x64xi32, #tpu.memory_space<vmem>>, vector<1x16xi32>,
    %run_scoped3A_365 = arith.constant 0 : i32
    %run_scoped3A_366 = arith.constant 0 : i32
    "tpu.region"() ({
      %run_scoped3A_377 = tpu.sem_alloc : memref<!tpu.dma_semaphore, #tpu.memory_space<semaphore_mem>>
      %dma_start3A_378 = arith.constant 0 : i32
      %dma_start3A_379 = arith.constant 0 : i32
      %dma_start3A_380 = tpu.memref_slice %arg6[%run_scoped3A_365, %dma_start3A_378, %dma_start3A_379] : memref<6x64x128xf32, #tpu.memory_space<vmem>> -> memref<1x64x128xf32, #tpu.memory_space<vmem>>
      %dma_start3A_381 = tpu.memref_squeeze %dma_start3A_380 : memref<1x64x128xf32, #tpu.memory_space<vmem>> -> memref<64x128xf32, #tpu.memory_space<vmem>>
      %dma_start3A_382 = arith.constant 0 : i32
      %dma_start3A_383 = tpu.memref_slice %arg7[%run_scoped3A_366, %dma_start3A_382] : memref<6x64xi32, #tpu.memory_space<vmem>> -> memref<1x64xi32, #tpu.memory_space<vmem>>
      %dma_start3A_384 = tpu.memref_squeeze %dma_start3A_383 : memref<1x64xi32, #tpu.memory_space<vmem>> -> memref<64xi32, #tpu.memory_space<vmem>>
      %dma_start3A_385 = arith.constant 0 : i32
      %dma_start3A_386 = arith.constant 0 : i32
      %dma_start3A_387 = tpu.memref_slice %arg8[%dma_start3A_385, %dma_start3A_386] : memref<10008x128xf32, #tpu.memory_space<vmem_shared>> -> memref<10008x128xf32, #tpu.memory_space<vmem_shared>>
      tpu.enqueue_indirect_dma source(%dma_start3A_381 : memref<64x128xf32, #tpu.memory_space<vmem>>) target(%dma_start3A_387 : memref<10008x128xf32, #tpu.memory_space<vmem_shared>>) offsets(%dma_start3A_384 : memref<64xi32, #tpu.memory_space<vmem>>) semaphore(%run_scoped3A_377 : memref<!tpu.dma_semaphore, #tpu.memory_space<semaphore_mem>>) {add = true}
      %dma_wait3A_388 = arith.constant 0 : i32
      %dma_wait3A_389 = arith.constant 0 : i32
      %dma_wait3A_390 = tpu.memref_slice %arg6[%run_scoped3A_365, %dma_wait3A_388, %dma_wait3A_389] : memref<6x64x128xf32, #tpu.memory_space<vmem>> -> memref<1x64x128xf32, #tpu.memory_space<vmem>>
      %dma_wait3A_391 = tpu.memref_squeeze %dma_wait3A_390 : memref<1x64x128xf32, #tpu.memory_space<vmem>> -> memref<64x128xf32, #tpu.memory_space<vmem>>
      %dma_wait3A_392 = arith.constant 0 : i32
      %dma_wait3A_393 = tpu.memref_slice %arg7[%run_scoped3A_366, %dma_wait3A_392] : memref<6x64xi32, #tpu.memory_space<vmem>> -> memref<1x64xi32, #tpu.memory_space<vmem>>
      %dma_wait3A_394 = tpu.memref_squeeze %dma_wait3A_393 : memref<1x64xi32, #tpu.memory_space<vmem>> -> memref<64xi32, #tpu.memory_space<vmem>>
      %dma_wait3A_395 = arith.constant 0 : i32
      %dma_wait3A_396 = arith.constant 0 : i32
      %dma_wait3A_397 = tpu.memref_slice %arg8[%dma_wait3A_395, %dma_wait3A_396] : memref<10008x128xf32, #tpu.memory_space<vmem_shared>> -> memref<10008x128xf32, #tpu.memory_space<vmem_shared>>
      tpu.wait_indirect_dma semaphore(%run_scoped3A_377 : memref<!tpu.dma_semaphore, #tpu.memory_space<semaphore_mem>>) src(%dma_wait3A_391 : memref<64x128xf32, #tpu.memory_space<vmem>>) dst(%dma_wait3A_397 : memref<10008x128xf32, #tpu.memory_space<vmem_shared>>)
      tpu.yield
    }) : () -> ()
    %barrier3A_367 = arith.constant 0 : index
    tpu.barrier barrier_id(%barrier3A_367)
    %mul3A_368 = arith.constant 624 : i32
    %mul3A_369 = arith.muli %arg1, %mul3A_368 : i32
    %mul3A_370 = arith.constant 624 : i32
    %mul3A_371 = arith.muli %arg1, %mul3A_370 : i32
    "tpu.region"() ({
      %run_scoped3A_377 = tpu.sem_alloc : memref<!tpu.dma_semaphore, #tpu.memory_space<semaphore_mem>>
      %dma_start3A_378 = arith.constant 0 : i32
      %dma_start3A_379 = tpu.memref_slice %arg5[%arg0, %mul3A_371, %dma_start3A_378] : memref<2x10000x128xf32, #tpu.memory_space<hbm>> -> memref<1x624x128xf32, #tpu.memory_space<hbm>>
      %dma_start3A_380 = tpu.memref_squeeze %dma_start3A_379 : memref<1x624x128xf32, #tpu.memory_space<hbm>> -> memref<624x128xf32, #tpu.memory_space<hbm>>
      %dma_start3A_381 = arith.constant 0 : i32
      %dma_start3A_382 = tpu.memref_slice %arg8[%mul3A_369, %dma_start3A_381] : memref<10008x128xf32, #tpu.memory_space<vmem_shared>> -> memref<624x128xf32, #tpu.memory_space<vmem_shared>>
      tpu.enqueue_dma source(%dma_start3A_382 : memref<624x128xf32, #tpu.memory_space<vmem_shared>>) target(%dma_start3A_380 : memref<624x128xf32, #tpu.memory_space<hbm>>) target_semaphore(%run_scoped3A_377 : memref<!tpu.dma_semaphore, #tpu.memory_space<semaphore_mem>>)
      %dma_wait3A_383 = arith.constant 0 : i32
      %dma_wait3A_384 = tpu.memref_slice %arg5[%arg0, %mul3A_371, %dma_wait3A_383] : memref<2x10000x128xf32, #tpu.memory_space<hbm>> -> memref<1x624x128xf32, #tpu.memory_space<hbm>>
      %dma_wait3A_385 = tpu.memref_squeeze %dma_wait3A_384 : memref<1x624x128xf32, #tpu.memory_space<hbm>> -> memref<624x128xf32, #tpu.memory_space<hbm>>
      %dma_wait3A_386 = arith.constant 0 : i32
      %dma_wait3A_387 = tpu.memref_slice %arg8[%mul3A_369, %dma_wait3A_386] : memref<10008x128xf32, #tpu.memory_space<vmem_shared>> -> memref<624x128xf32, #tpu.memory_space<vmem_shared>>
      tpu.wait_dma2 semaphore(%run_scoped3A_377 : memref<!tpu.dma_semaphore, #tpu.memory_space<semaphore_mem>>) src(%dma_wait3A_387 : memref<624x128xf32, #tpu.memory_space<vmem_shared>>) dst(%dma_wait3A_385 : memref<624x128xf32, #tpu.memory_space<hbm>>)
      tpu.yield
    }) : () -> ()
    %eq3A_372 = arith.constant 15 : i32
    %eq3A_373 = arith.cmpi eq, %arg1, %eq3A_372 : i32
    %convert_element_type3A_374 = arith.extui %eq3A_373 : i1 to i32
    %cond3A_375 = arith.constant 0 : i32
    %cond3A_376 = arith.cmpi ne, %convert_element_type3A_374, %cond3A_375 : i32
    scf.if %cond3A_376 {
      "tpu.region"() ({
        %run_scoped3A_377 = tpu.sem_alloc : memref<!tpu.dma_semaphore, #tpu.memory_space<semaphore_mem>>
        %dma_start3A_378 = arith.constant 9984 : i32
        %dma_start3A_379 = arith.constant 0 : i32
        %dma_start3A_380 = tpu.memref_slice %arg5[%arg0, %dma_start3A_378, %dma_start3A_379] : memref<2x10000x128xf32, #tpu.memory_space<hbm>> -> memref<1x16x128xf32, #tpu.memory_space<hbm>>
        %dma_start3A_381 = tpu.memref_squeeze %dma_start3A_380 : memref<1x16x128xf32, #tpu.memory_space<hbm>> -> memref<16x128xf32, #tpu.memory_space<hbm>>
        %dma_start3A_382 = arith.constant 9984 : i32
        %dma_start3A_383 = arith.constant 0 : i32
        %dma_start3A_384 = tpu.memref_slice %arg8[%dma_start3A_382, %dma_start3A_383] : memref<10008x128xf32, #tpu.memory_space<vmem_shared>> -> memref<16x128xf32, #tpu.memory_space<vmem_shared>>
        tpu.enqueue_dma source(%dma_start3A_384 : memref<16x128xf32, #tpu.memory_space<vmem_shared>>) target(%dma_start3A_381 : memref<16x128xf32, #tpu.memory_space<hbm>>) target_semaphore(%run_scoped3A_377 : memref<!tpu.dma_semaphore, #tpu.memory_space<semaphore_mem>>)
        %dma_wait3A_385 = arith.constant 9984 : i32
        %dma_wait3A_386 = arith.constant 0 : i32
        %dma_wait3A_387 = tpu.memref_slice %arg5[%arg0, %dma_wait3A_385, %dma_wait3A_386] : memref<2x10000x128xf32, #tpu.memory_space<hbm>> -> memref<1x16x128xf32, #tpu.memory_space<hbm>>
        %dma_wait3A_388 = tpu.memref_squeeze %dma_wait3A_387 : memref<1x16x128xf32, #tpu.memory_space<hbm>> -> memref<16x128xf32, #tpu.memory_space<hbm>>
        %dma_wait3A_389 = arith.constant 9984 : i32
        %dma_wait3A_390 = arith.constant 0 : i32
        %dma_wait3A_391 = tpu.memref_slice %arg8[%dma_wait3A_389, %dma_wait3A_390] : memref<10008x128xf32, #tpu.memory_space<vmem_shared>> -> memref<16x128xf32, #tpu.memory_space<vmem_shared>>
        tpu.wait_dma2 semaphore(%run_scoped3A_377 : memref<!tpu.dma_semaphore, #tpu.memory_space<semaphore_mem>>) src(%dma_wait3A_391 : memref<16x128xf32, #tpu.memory_space<vmem_shared>>) dst(%dma_wait3A_388 : memref<16x128xf32, #tpu.memory_space<hbm>>)
        tpu.yield
      }) : () -> ()
    } else {
    }
    return
  }
}

module attributes {stable_mosaic.version = 14 : i64} {
  func.func @_mlp_pre_body(%arg0: i32, %arg1: memref<2000x128xf32, #tpu.memory_space<vmem>>, %arg2: memref<2000x128xf32, #tpu.memory_space<vmem>>, %arg3: memref<256x128xf32, #tpu.memory_space<vmem>>, %arg4: memref<1x128xf32, #tpu.memory_space<vmem>>, %arg5: memref<2000x128xf32, #tpu.memory_space<vmem>>) attributes {dimension_semantics = [#tpu.dimension_semantics<arbitrary>], iteration_bounds = array<i64: 5>, scalar_prefetch = 0 : i64, scratch_operands = 0 : i64, tpu.core_type = #tpu.core_type<tc>, window_params = [{transform_indices = @transform_0, window_bounds = array<i64: 2000, 128>}, {transform_indices = @transform_1, window_bounds = array<i64: 2000, 128>}, {pipeline_mode = #tpu.pipeline_mode<synchronous>, transform_indices = @transform_2, window_bounds = array<i64: 256, 128>}, {pipeline_mode = #tpu.pipeline_mode<synchronous>, transform_indices = @transform_3, window_bounds = array<i64: 1, 128>}, {transform_indices = @transform_4, window_bounds = array<i64: 2000, 128>}]} {
    %get3A = arith.constant 0 : index
    %get3A_0 = arith.constant 0 : index
    %get3A_1 = vector.load %arg1[%get3A, %get3A_0] : memref<2000x128xf32, #tpu.memory_space<vmem>>, vector<2000x128xf32>
    %get3A_2 = arith.constant 0 : index
    %get3A_3 = arith.constant 0 : index
    %get3A_4 = vector.load %arg2[%get3A_2, %get3A_3] : memref<2000x128xf32, #tpu.memory_space<vmem>>, vector<2000x128xf32>
    %concatenate3A = tpu.concatenate %get3A_1, %get3A_4 in 1 : vector<2000x128xf32>, vector<2000x128xf32> -> vector<2000x256xf32>
    %get3A_5 = arith.constant 0 : index
    %get3A_6 = arith.constant 0 : index
    %get3A_7 = vector.load %arg3[%get3A_5, %get3A_6] : memref<256x128xf32, #tpu.memory_space<vmem>>, vector<256x128xf32>
    %dot_general3A = arith.constant dense<0.000000e+00> : vector<2000x128xf32>
    %dot_general3A_8 = tpu.matmul %concatenate3A, %get3A_7, %dot_general3A {dimension_numbers = #tpu.dot_dimension_numbers<[1], [0], [0], [1], [0, 0, 1, 1], [], []>, transpose_lhs_hint = false} : vector<2000x256xf32>, vector<256x128xf32>, vector<2000x128xf32> -> vector<2000x128xf32>
    %get3A_9 = arith.constant 0 : index
    %get3A_10 = arith.constant 0 : index
    %get3A_11 = vector.load %arg4[%get3A_9, %get3A_10] : memref<1x128xf32, #tpu.memory_space<vmem>>, vector<1x128xf32>
    %add3A = vector.broadcast %get3A_11 : vector<1x128xf32> to vector<2000x128xf32>
    %add3A_12 = arith.addf %dot_general3A_8, %add3A : vector<2000x128xf32>
    %swap3A = arith.constant 0 : index
    %swap3A_13 = arith.constant 0 : index
    %swap3A_14 = vector.load %arg5[%swap3A, %swap3A_13] : memref<2000x128xf32, #tpu.memory_space<vmem>>, vector<2000x128xf32>
    tpu.vector_store %arg5[%swap3A, %swap3A_13], %add3A_12 {strides = array<i32>} : memref<2000x128xf32, #tpu.memory_space<vmem>>, vector<2000x128xf32>,
    return
  }
  func.func @transform_0(%arg0: i32) -> (i32, i32) {
    %c0_i32 = arith.constant 0 : i32
    %c0_i32_0 = arith.constant 0 : i32
    return %arg0, %c0_i32 : i32, i32
  }
  func.func @transform_1(%arg0: i32) -> (i32, i32) {
    %c0_i32 = arith.constant 0 : i32
    %c0_i32_0 = arith.constant 0 : i32
    return %arg0, %c0_i32 : i32, i32
  }
  func.func @transform_2(%arg0: i32) -> (i32, i32) {
    %c0_i32 = arith.constant 0 : i32
    %c0_i32_0 = arith.constant 0 : i32
    %c0_i32_1 = arith.constant 0 : i32
    return %c0_i32, %c0_i32_0 : i32, i32
  }
  func.func @transform_3(%arg0: i32) -> (i32, i32) {
    %c0_i32 = arith.constant 0 : i32
    %c0_i32_0 = arith.constant 0 : i32
    %c0_i32_1 = arith.constant 0 : i32
    return %c0_i32, %c0_i32_0 : i32, i32
  }
  func.func @transform_4(%arg0: i32) -> (i32, i32) {
    %c0_i32 = arith.constant 0 : i32
    %c0_i32_0 = arith.constant 0 : i32
    return %arg0, %c0_i32 : i32, i32
  }
}

module attributes {stable_mosaic.version = 14 : i64} {
  func.func @_mlp_post_body(%arg0: i32, %arg1: memref<2000x128xf32, #tpu.memory_space<vmem>>, %arg2: memref<2000x128xf32, #tpu.memory_space<vmem>>, %arg3: memref<2000x128xf32, #tpu.memory_space<vmem>>, %arg4: memref<128x128xf32, #tpu.memory_space<vmem>>, %arg5: memref<128x128xf32, #tpu.memory_space<vmem>>, %arg6: memref<1x128xf32, #tpu.memory_space<vmem>>, %arg7: memref<2000x128xf32, #tpu.memory_space<vmem>>) attributes {dimension_semantics = [#tpu.dimension_semantics<arbitrary>], iteration_bounds = array<i64: 5>, scalar_prefetch = 0 : i64, scratch_operands = 0 : i64, tpu.core_type = #tpu.core_type<tc>, window_params = [{transform_indices = @transform_0, window_bounds = array<i64: 2000, 128>}, {transform_indices = @transform_1, window_bounds = array<i64: 2000, 128>}, {transform_indices = @transform_2, window_bounds = array<i64: 2000, 128>}, {pipeline_mode = #tpu.pipeline_mode<synchronous>, transform_indices = @transform_3, window_bounds = array<i64: 128, 128>}, {pipeline_mode = #tpu.pipeline_mode<synchronous>, transform_indices = @transform_4, window_bounds = array<i64: 128, 128>}, {pipeline_mode = #tpu.pipeline_mode<synchronous>, transform_indices = @transform_5, window_bounds = array<i64: 1, 128>}, {transform_indices = @transform_6, window_bounds = array<i64: 2000, 128>}]} {
    %get3A = arith.constant 0 : index
    %get3A_0 = arith.constant 0 : index
    %get3A_1 = vector.load %arg2[%get3A, %get3A_0] : memref<2000x128xf32, #tpu.memory_space<vmem>>, vector<2000x128xf32>
    %get3A_2 = arith.constant 0 : index
    %get3A_3 = arith.constant 0 : index
    %get3A_4 = vector.load %arg3[%get3A_2, %get3A_3] : memref<2000x128xf32, #tpu.memory_space<vmem>>, vector<2000x128xf32>
    %add3A = arith.addf %get3A_1, %get3A_4 : vector<2000x128xf32>
    %get3A_5 = arith.constant 0 : index
    %get3A_6 = arith.constant 0 : index
    %get3A_7 = vector.load %arg1[%get3A_5, %get3A_6] : memref<2000x128xf32, #tpu.memory_space<vmem>>, vector<2000x128xf32>
    %get3A_8 = arith.constant 0 : index
    %get3A_9 = arith.constant 0 : index
    %get3A_10 = vector.load %arg4[%get3A_8, %get3A_9] : memref<128x128xf32, #tpu.memory_space<vmem>>, vector<128x128xf32>
    %dot_general3A = arith.constant dense<0.000000e+00> : vector<2000x128xf32>
    %dot_general3A_11 = tpu.matmul %add3A, %get3A_10, %dot_general3A {dimension_numbers = #tpu.dot_dimension_numbers<[1], [0], [0], [1], [0, 0, 1, 1], [], []>, transpose_lhs_hint = false} : vector<2000x128xf32>, vector<128x128xf32>, vector<2000x128xf32> -> vector<2000x128xf32>
    %add3A_12 = arith.addf %get3A_7, %dot_general3A_11 : vector<2000x128xf32>
    %max3A = arith.constant 0.000000e+00 : f32
    %max3A_13 = vector.broadcast %max3A : f32 to vector<2000x128xf32>
    %max3A_14 = arith.maximumf %add3A_12, %max3A_13 : vector<2000x128xf32>
    %get3A_15 = arith.constant 0 : index
    %get3A_16 = arith.constant 0 : index
    %get3A_17 = vector.load %arg5[%get3A_15, %get3A_16] : memref<128x128xf32, #tpu.memory_space<vmem>>, vector<128x128xf32>
    %dot_general3A_18 = arith.constant dense<0.000000e+00> : vector<2000x128xf32>
    %dot_general3A_19 = tpu.matmul %max3A_14, %get3A_17, %dot_general3A_18 {dimension_numbers = #tpu.dot_dimension_numbers<[1], [0], [0], [1], [0, 0, 1, 1], [], []>, transpose_lhs_hint = false} : vector<2000x128xf32>, vector<128x128xf32>, vector<2000x128xf32> -> vector<2000x128xf32>
    %get3A_20 = arith.constant 0 : index
    %get3A_21 = arith.constant 0 : index
    %get3A_22 = vector.load %arg6[%get3A_20, %get3A_21] : memref<1x128xf32, #tpu.memory_space<vmem>>, vector<1x128xf32>
    %add3A_23 = vector.broadcast %get3A_22 : vector<1x128xf32> to vector<2000x128xf32>
    %add3A_24 = arith.addf %dot_general3A_19, %add3A_23 : vector<2000x128xf32>
    %max3A_25 = arith.constant 0.000000e+00 : f32
    %max3A_26 = vector.broadcast %max3A_25 : f32 to vector<2000x128xf32>
    %max3A_27 = arith.maximumf %add3A_24, %max3A_26 : vector<2000x128xf32>
    %swap3A = arith.constant 0 : index
    %swap3A_28 = arith.constant 0 : index
    %swap3A_29 = vector.load %arg7[%swap3A, %swap3A_28] : memref<2000x128xf32, #tpu.memory_space<vmem>>, vector<2000x128xf32>
    tpu.vector_store %arg7[%swap3A, %swap3A_28], %max3A_27 {strides = array<i32>} : memref<2000x128xf32, #tpu.memory_space<vmem>>, vector<2000x128xf32>,
    return
  }
  func.func @transform_0(%arg0: i32) -> (i32, i32) {
    %c0_i32 = arith.constant 0 : i32
    %c0_i32_0 = arith.constant 0 : i32
    return %arg0, %c0_i32 : i32, i32
  }
  func.func @transform_1(%arg0: i32) -> (i32, i32) {
    %c0_i32 = arith.constant 0 : i32
    %c0_i32_0 = arith.constant 0 : i32
    return %arg0, %c0_i32 : i32, i32
  }
  func.func @transform_2(%arg0: i32) -> (i32, i32) {
    %add3A = arith.constant 5 : i32
    %add3A_0 = arith.addi %arg0, %add3A : i32
    %c0_i32 = arith.constant 0 : i32
    %c0_i32_1 = arith.constant 0 : i32
    return %add3A_0, %c0_i32 : i32, i32
  }
  func.func @transform_3(%arg0: i32) -> (i32, i32) {
    %c0_i32 = arith.constant 0 : i32
    %c0_i32_0 = arith.constant 0 : i32
    %c0_i32_1 = arith.constant 0 : i32
    return %c0_i32, %c0_i32_0 : i32, i32
  }
  func.func @transform_4(%arg0: i32) -> (i32, i32) {
    %c0_i32 = arith.constant 0 : i32
    %c0_i32_0 = arith.constant 0 : i32
    %c0_i32_1 = arith.constant 0 : i32
    return %c0_i32, %c0_i32_0 : i32, i32
  }
  func.func @transform_5(%arg0: i32) -> (i32, i32) {
    %c0_i32 = arith.constant 0 : i32
    %c0_i32_0 = arith.constant 0 : i32
    %c0_i32_1 = arith.constant 0 : i32
    return %c0_i32, %c0_i32_0 : i32, i32
  }
  func.func @transform_6(%arg0: i32) -> (i32, i32) {
    %c0_i32 = arith.constant 0 : i32
    %c0_i32_0 = arith.constant 0 : i32
    return %arg0, %c0_i32 : i32, i32
  }
}

</mosaic_0001>

<sc_bundles>
// kernel: kernel.5.cloned.1.call-start
scs
__scs_entry_jumppad:
0x0: {  	(pc) =	sbr.rel $0x88, $3  }
0x1: {  	(tag) =	ssettag $0x0;
	lr =	simm.s32 $0x1  }
0x2: {  	[smem:$0x3F99] =	sst lr;
	_ =	strace $0xD0000000  }
0x3: {  	_ = 	snop  }
0x4: {  	_ = 	snop  }
0x5: {  	_ = 	snop  }
0x6: {  	_ = 	snop  }
0x7: {  	_ = 	snop  }
__scs_overlays_trampoline_lowered:
0x8: {  	[smem:$0x3FA8] =	sst s0  }
0x9: {  	[smem:$0x3FA9] =	sst s1  }
0xa: {  	[smem:$0x3FAA] =	sst s2  }
0xb: {  	[smem:$0x3FAB] =	sst s3  }
0xc: {  	[smem:$0x3FAC] =	sst s4  }
0xd: {  	[smem:$0x3FAD] =	sst s5  }
0xe: {  	[smem:$0x3FAE] =	sst s6  }
0xf: {  	[smem:$0x3FAF] =	sst s7  }
0x10: {  	[smem:$0x3FB0] =	sst s8  }
0x11: {  	[smem:$0x3FB1] =	sst s9;
	s0 =	simm.s32 @!p0 $0x0  }
0x12: {  	s1 =	sld [smem:$0x3F97];
	s0 =	simm.s32 @p0 $0x1  }
0x13: {  	[smem:$0x3FB2] =	sst s0;
	s0 =	simm.s32 @!p1 $0x0  }
0x14: {  	s2 =	sld [smem:$0x3F96];
	s0 =	simm.s32 @p1 $0x1  }
0x15: {  	[smem:$0x3FB3] =	sst s0;
	s0 =	simm.s32 @!p2 $0x0  }
0x16: {  	s3 =	sld [smem:$0x3FDB];
	s0 =	simm.s32 @p2 $0x1  }
0x17: {  	s4 =	simm.s32 $0x1BF5;
	[smem:$0x3FB5] =	sst s0  }
0x18: {  	s0 =	sld [smem:$0x3F98];
	_ =	swait.ge [sflag:s4], $0x0  }
0x19: {  	s7 =	sld [smem:$0x3F99]  }
0x1a: {  	s8 =	sadd.s32 $0xFFFFE003, lr  }
0x1b: {  	s9 =	sadd.s32 $0xFFFFFEF7, lr;
	s5 =	simm.s32 $0xFFFFFFFF;
	p2 =	slt.u32 s8, $0xFFFFF086  }
0x1c: {  	p1 =	slt.u32 s9, $0xF7A;
	s5 =	simm.s32 @!p2 $0x0  }
0x1d: {  	s5 =	simm.s32 @p1 $0x1;
	p0 =	seq.s32 s7, s2  }
0x1e: {  	s7 =	smul.u32 @!p0 $0xF7A, s2;
	p2 =	seq.s32 @!p0 s5, $0x0  }
0x1f: {  	s9 =	smul.u32 $0xF7A, s1;
	s8 =	simm.s32 @!p0 $0x1BF5;
	p2 =	por !p2, p0  }
0x20: {  	[sflag:s8] =	ssyncset.s32 @!p0 $0xFFFFF086;
	s6 =	sadd.s32 @!p0 s3, s7;
	s7 =	simm.s32 @!p0 $0x108  }
0x21: {  	s3 =	sadd.s32 s3, s9;
	s6 =	sadd.s32 @!p0 $0x88, s6;
	s7 =	simm.s32 @p2 $0x1082  }
0x22: {  	[simem:s7], [sflag:s8] =	dma.local @!p0 [hbm:s6], $0xF7A  }
0x23: {  	s9 =	sor.u32 $0xD0000000, s2;
	s6 =	simm.s32 $0x108;
	_ =	swait.ge @!p0 [sflag:s8], $0x0  }
0x24: {  	s3 =	sadd.s32 $0x88, s3;
	s6 =	simm.s32 @!p1 $0x1082;
	[sflag:s4] =	ssyncset.s32 $0xFFFFF086  }
0x25: {  	[simem:s6], [sflag:s4] =	dma.local [hbm:s3], $0xF7A  }
0x26: {  	[smem:$0x3F99] =	sst s1;
	(tag) =	ssettag s2;
	_ =	strace s9  }
0x27: {  	s1 =	sld [smem:$0x3FA9]  }
0x28: {  	s2 =	sld [smem:$0x3FAA]  }
0x29: {  	s4 =	sld [smem:$0x3FAC]  }
0x2a: {  	p0 =	seq.s32 s5, $0x0;
	s5 =	sld [smem:$0x3FAD]  }
0x2b: {  	s6 =	sld [smem:$0x3FAE]  }
0x2c: {  	s7 =	sld [smem:$0x3FAF]  }
0x2d: {  	s3 =	simm.s32 $0x108;
	s8 =	sld [smem:$0x3FB0]  }
0x2e: {  	s3 =	simm.s32 @!p0 $0x1082;
	s9 =	sld [smem:$0x3FB1]  }
0x2f: {  	lr =	sadd.s32 s0, s3;
	s0 =	sld [smem:$0x3FA8]  }
0x30: {  	s3 =	sld [smem:$0x3FAB]  }
0x31: {  	[smem:$0x3FB4] =	sst s10  }
0x32: {  	s10 =	sld [smem:$0x3FB2];
	_ =	sdelay $0x3  }
0x33: {  	p0 =	seq.s32 s10, $0x1;
	s10 =	sld [smem:$0x3FB4];
	_ =	sdelay $0x3  }
0x34: {  	[smem:$0x3FB4] =	sst s10  }
0x35: {  	s10 =	sld [smem:$0x3FB3];
	_ =	sdelay $0x3  }
0x36: {  	p1 =	seq.s32 s10, $0x1;
	s10 =	sld [smem:$0x3FB4];
	_ =	sdelay $0x3  }
0x37: {  	[smem:$0x3FB4] =	sst s10  }
0x38: {  	s10 =	sld [smem:$0x3FB5]  }
0x39: {  	_ = 	snop;
	(pc) =	sbr.ind lr, $3  }
0x3a: {  	_ = 	snop  }
0x3b: {  	_ = 	snop  }
0x3c: {  	p2 =	seq.s32 s10, $0x1;
	s10 =	sld [smem:$0x3FB4]  }
0x3d: {  	_ =	shalt  }
0x3e: {  	_ =	shalt  }
0x3f: {  	_ =	shalt  }
0x40: {  	_ =	shalt  }
0x41: {  	_ =	shalt  }
0x42: {  	_ =	shalt  }
0x43: {  	_ =	shalt  }
0x44: {  	_ =	shalt  }
0x45: {  	_ =	shalt  }
0x46: {  	_ =	shalt  }
0x47: {  	_ =	shalt  }
0x48: {  	_ =	shalt  }
0x49: {  	_ =	shalt  }
0x4a: {  	_ =	shalt  }
0x4b: {  	_ =	shalt  }
0x4c: {  	_ =	shalt  }
0x4d: {  	_ =	shalt  }
0x4e: {  	_ =	shalt  }
0x4f: {  	_ =	shalt  }
0x50: {  	_ =	shalt  }
0x51: {  	_ =	shalt  }
0x52: {  	_ =	shalt  }
0x53: {  	_ =	shalt  }
0x54: {  	_ =	shalt  }
0x55: {  	_ =	shalt  }
0x56: {  	_ =	shalt  }
0x57: {  	_ =	shalt  }
0x58: {  	_ =	shalt  }
0x59: {  	_ =	shalt  }
0x5a: {  	_ =	shalt  }
0x5b: {  	_ =	shalt  }
0x5c: {  	_ =	shalt  }
0x5d: {  	_ =	shalt  }
0x5e: {  	_ =	shalt  }
0x5f: {  	_ =	shalt  }
0x60: {  	_ =	shalt  }
0x61: {  	_ =	shalt  }
0x62: {  	_ =	shalt  }
0x63: {  	_ =	shalt  }
0x64: {  	_ =	shalt  }
0x65: {  	_ =	shalt  }
0x66: {  	_ =	shalt  }
0x67: {  	_ =	shalt  }
0x68: {  	_ =	shalt  }
0x69: {  	_ =	shalt  }
0x6a: {  	_ =	shalt  }
0x6b: {  	_ =	shalt  }
0x6c: {  	_ =	shalt  }
0x6d: {  	_ =	shalt  }
0x6e: {  	_ =	shalt  }
0x6f: {  	_ =	shalt  }
0x70: {  	_ =	shalt  }
0x71: {  	_ =	shalt  }
0x72: {  	_ =	shalt  }
0x73: {  	_ =	shalt  }
0x74: {  	_ =	shalt  }
0x75: {  	_ =	shalt  }
0x76: {  	_ =	shalt  }
0x77: {  	_ =	shalt  }
0x78: {  	_ =	shalt  }
0x79: {  	_ =	shalt  }
0x7a: {  	_ =	shalt  }
0x7b: {  	_ =	shalt  }
0x7c: {  	_ =	shalt  }
0x7d: {  	_ =	shalt  }
0x7e: {  	_ =	shalt  }
0x7f: {  	_ =	shalt  }
0x80: {  	_ =	shalt  }
0x81: {  	_ =	shalt  }
0x82: {  	_ =	shalt  }
0x83: {  	_ =	shalt  }
0x84: {  	_ =	shalt  }
0x85: {  	_ =	shalt  }
0x86: {  	_ =	shalt  }
0x87: {  	_ =	shalt  }
.Lfunc_end0:
.L_simem_size_0:
called_computation_lowered:
.L_overlay_start_0:
0x88: {  	s2 =	sld [smem:$0x3FD9]  }
0x89: {  	s3 =	sld [smem:$0x3FFE];
	_ =	sdelay $0x1  }
0x8a: {  	s1 =	srdreg.scid  }
0x8b: {  	s0 =	sand.u32 $0x1, s1  }
0x8c: {  	s17 =	sshll.u32 s0, $0xA;
	s2 =	sadd.s32 s3, s2  }
0x8d: {  	s2 =	sadd.s32 s2, s17  }
0x8e: {  	[smem:$0x3FC0] =	sst s2  }
0x8f: {  	_ = 	snop  }
0x90: {  	s2 =	sld [smem:$0x3FC7]  }
0x91: {  	s18 =	sld [smem:$0x3FD0];
	(tm) =	ssettm $0x1  }
0x92: {  	s4 =	sld [smem:$0x3FFB];
	_ =	sdelay $0x3  }
0x93: {  	_ =	strace s4  }
0x94: {  	s4 =	sld [smem:$0x3FFC];
	_ =	sdelay $0x3  }
0x95: {  	_ =	strace s4  }
0x96: {  	s4 =	sld [smem:$0x3FFD];
	_ =	sdelay $0x3  }
0x97: {  	_ =	strace s4  }
0x98: {  	_ =	strace $0x8FFFFFFF  }
0x99: {  	s19 =	sld [smem:$0x3FDB];
	_ =	sdelay $0x1  }
0x9a: {  	s5 =	simm.s32 $_scs_section_size  }
0x9b: {  	s6 =	simm.s32 $_size__tile_overlayer_lowered;
	s7 =	simm.s32 $_tile_overlayer_lowered  }
0x9c: {  	s22 =	simm.s32 $0x1BFF;
	s21 =	sshll.u32 s7, $0x1;
	s4 =	sadd.s32 s5, s19  }
0x9d: {  	s8 =	simm.s32 $0x0;
	s20 =	sshll.u32 s6, $0x1;
	s6 =	sadd.s32 s21, s4  }
0x9e: {  	[timem:s8], [sflag:s22] =	dma.local [hbm:s6], s20  }
0x9f: {  	_ =	swait.ge [sflag:s22], s20  }
0xa0: {  	s5 =	ssub.s32 $0x0, s20;
	[sflag:s22] =	ssyncset.done $0x0  }
0xa1: {  	[sflag:s22] =	ssyncadd.s32 s5;
	_ =	sdelay $0x1  }
0xa2: {  	s23 =	simm.s32 $0x1B8B  }
0xa3: {  	_ =	swait.ge [sflag:s23], $0x1  }
0xa4: {  	[sflag:s23] =	ssyncset.done $0x0  }
0xa5: {  	s25 =	simm.s32 $0x1B8E;
	s24 =	sld [smem:$0x3FFE];
	[sflag:s23] =	ssyncadd.s32 $0xFFFFFFFF  }
0xa6: {  	s26 =	simm.s32 $execute0_lowered;
	[smem:$0x3FD2] =	sst s25  }
0xa7: {  	s6 =	sshll.u32 s26, $0x1;
	_ =	strace $0x80000046;
	[dreg:$0x1] =	wrdreg $0xFFFFFFFF  }
0xa8: {  	s28 =	simm.s32 $_size_execute0_lowered;
	s4 =	sadd.s32 s4, s6;
	[dreg:$0x0] =	wrdreg $0x0  }
0xa9: {  	s6 =	sshll.u32 s28, $0x1;
	[dreg:$0x2] =	wrdreg s4  }
0xaa: {  	[dreg:$0x3] =	wrdreg s6  }
0xab: {  	[dreg:$0x4] =	wrdreg $0xC0  }
0xac: {  	_ =	task [dreg:s8], $0x5FFFF  }
0xad: {  	[dreg:$0x1] =	wrdreg $0xFFFFFFFF  }
0xae: {  	[dreg:$0x0] =	wrdreg $0x60  }
0xaf: {  	[dreg:$0x2] =	wrdreg s2  }
0xb0: {  	[dreg:$0x3] =	wrdreg s18  }
0xb1: {  	[dreg:$0x4] =	wrdreg s24  }
0xb2: {  	[dreg:$0x5] =	wrdreg $0xC4000  }
0xb3: {  	[dreg:$0x6] =	wrdreg $0x9  }
0xb4: {  	_ =	task.clear_ibuf [dreg:s8], $0x7FFFF;
	_ =	strace $0x90000046  }
0xb5: {  	s29 =	simm.s32 $0x9;
	_ =	strace $0x80000048  }
0xb6: {  	_ =	swait.ge [sflag:s29], $0x1  }
0xb7: {  	[sflag:s29] =	ssyncadd.s32 $0xFFFFFFFF  }
0xb8: {  	_ =	strace $0x90000048  }
0xb9: {  	_ =	sfence  }
0xba: {  	s30 =	sld [smem:$0x0];
	_ =	sdelay $0x2  }
0xbb: {  	s31 =	sshll.u32 s1, $0xD;
	s1 =	sshrl.u32 s1, $0x2  }
0xbc: {  	s3 =	sand.u32 $0x4000, s31;
	s1 =	sadd.s32 s1, s30  }
0xbd: {  	s0 =	sor.u32 s3, s0;
	s1 =	sshll.u32 s1, $0x11  }
0xbe: {  	s0 =	sor.u32 s1, s0  }
0xbf: {  	s0 =	sadd.s32 $0x8F2B, s0  }
0xc0: {  	[sflag:s0] =	ssyncadd.remote.s32 $0x1  }
0xc1: {  	_ =	sfence.sel $0xFFFF  }
0xc2: {  	[dreg:$0x0] =	wrdreg $0xFFFFFFFF;
	(pc) =	sbr.abs _section_cstart, $3  }
0xc3: {  	[dreg:$0x1] =	wrdreg $0xFFFFFFFF  }
0xc4: {  	_ =	task.clear_ibuf [dreg:s8], $0x2FFFF;
	_ =	strace $0x9FFFFFFF  }
0xc5: {  	(tm) =	ssettm $0x7FFFFFFF  }
tec
execute0_lowered:
.L_overlay_start_1:
0x0: {  	(tag) =	ssettag $0x1  }
0x1: {  	s0 =	rddreg [dreg:$0x0]  }
0x2: {  	s16 =	rddreg [dreg:$0x1]  }
0x3: {  	s1 =	srdreg.scid;
	s2 =	rddreg [dreg:$0x2]  }
0x4: {  	s3 =	rddreg [dreg:$0x3];
	s17 =	stileid.u32;
	s4 =	simm.s32 $0x0  }
0x5: {  	s28 =	simm.s32 $0x6;
	s29 =	simm.s32 $0xC;
	s1 =	sand.u32 $0x1, s1  }
0x6: {  	[smem:$0x7FF] =	sst s4;
	s15 =	smul.u32 $0x13800, s17;
	s5 =	sshll.u32 s1, $0x4  }
0x7: {  	s9 =	sadd.s32 $0xE00, s2;
	s12 =	smul.u32 $0x138800, s1;
	s5 =	sor.u32 s17, s5  }
0x8: {  	s2 =	sadd.s32 $0x3600, s2;
	s6 =	ssub.s32 $0x2, s1;
	s7 =	smul.u32 $0x2710, s5  }
0x9: {  	p0 =	sne.s32 s17, $0xF;
	s8 =	sshrl.u32 s6, $0x1;
	s5 =	smul.u32 $0x27100, s5  }
0xa: {  	_ =	strace $0x80000047;
	[dreg:$0x6] =	wrdreg s9;
	s6 =	ssub.s32 s6, s8  }
0xb: {  	s23 =	sadd.s32 s15, s12;
	s12 =	sshrl.u32 s12, $0x3;
	s5 =	sadd.s32 s0, s5  }
0xc: {  	s24 =	sshrl.u32 s7, $0x3;
	s25 =	sadd.s32 $0x40, s7;
	s30 =	sadd.s32 $0x80, s7  }
0xd: {  	s20 =	sadd.s32 $0xC0, s7;
	s11 =	sadd.s32 $0x100, s7;
	s14 =	sadd.s32 $0x140, s7  }
0xe: {  	s7 =	sadd.s32 $0x26D0, s7;
	[dreg:$0x7] =	wrdreg s5;
	s5 =	sadd.s32 s16, s24  }
0xf: {  	s26 =	sshll.u32 s25, $0x4;
	s31 =	sshrl.u32 s25, $0x3;
	s18 =	sshll.u32 s30, $0x4  }
0x10: {  	s19 =	sshrl.u32 s30, $0x3;
	s10 =	sshll.u32 s20, $0x4;
	s13 =	sshll.u32 s11, $0x4  }
0x11: {  	s22 =	sshll.u32 s14, $0x4;
	[dreg:$0x8] =	wrdreg s5;
	s5 =	sadd.s32 s0, s26  }
0x12: {  	s24 =	smul.u32 $0x271000, s1;
	s8 =	sadd.s32 s0, s18;
	[dreg:$0x9] =	wrdreg s5  }
0x13: {  	s25 =	sshll.u32 s7, $0x4;
	s10 =	sadd.s32 s0, s10;
	[dreg:$0xa] =	wrdreg s8  }
0x14: {  	s9 =	sshrl.u32 s11, $0x3;
	s21 =	sadd.s32 s0, s13;
	[dreg:$0xb] =	wrdreg s10  }
0x15: {  	s15 =	sshrl.u32 s7, $0x3;
	s30 =	sadd.s32 s16, s19;
	[dreg:$0xc] =	wrdreg s21  }
0x16: {  	s11 =	smov.u32 s16;
	s18 =	sadd.s32 s16, s15;
	[dreg:$0x11] =	wrdreg s30  }
0x17: {  	s1 =	smul.u32 $0x27100, s1;
	s10 =	sadd.s32 s0, s22;
	[dreg:$0x17] =	wrdreg s18  }
0x18: {  	s26 =	smul.u32 $0x27100, s17;
	s5 =	sadd.s32 s16, s31;
	[dreg:$0xd] =	wrdreg s10  }
0x19: {  	s31 =	sshrl.u32 s20, $0x3;
	s21 =	smax.u32 s6, $0x1;
	[dreg:$0x10] =	wrdreg s5  }
0x1a: {  	s8 =	smul.u32 $0x4E000, s17;
	s5 =	sadd.s32 s16, s31;
	[dreg:$0x19] =	wrdreg s21  }
0x1b: {  	s10 =	sshrl.u32 s23, $0x3;
	s31 =	sadd.s32 $0x138000, s3;
	[dreg:$0x12] =	wrdreg s5  }
0x1c: {  	s6 =	simm.s32 $0x0;
	s10 =	sadd.s32 s2, s10;
	[smem:$0x7FD] =	sst s31  }
0x1d: {  	s5 =	sshrl.u32 s8, $0x2;
	s8 =	sadd.s32 s16, s9;
	[dreg:$0xe] =	wrdreg s10  }
0x1e: {  	s2 =	sadd.s32 s2, s12;
	s10 =	sadd.s32 s0, s25;
	[dreg:$0x13] =	wrdreg s8  }
0x1f: {  	s12 =	smul.u32 $0x2710, s17;
	s5 =	sadd.s32 s5, s3;
	[dreg:$0xf] =	wrdreg s10  }
0x20: {  	s0 =	sadd.s32 s24, s0;
	s2 =	sadd.s32 $0x27000, s2;
	[dreg:$0x15] =	wrdreg s5  }
0x21: {  	s0 =	sadd.s32 s26, s0;
	s10 =	sshrl.u32 s14, $0x3;
	[dreg:$0x18] =	wrdreg s2  }
0x22: {  	s14 =	sshll.u32 s17, $0x6;
	s5 =	simm.s32 $0xA;
	[dreg:$0x5] =	wrdreg s0  }
0x23: {  	s13 =	sadd.s32 s16, s10;
	s0 =	sadd.s32 s12, s1;
	s7 =	sor.u32 $0x1C0D, s14  }
0x24: {  	[dreg:$0x14] =	wrdreg s13;
	s19 =	sadd.s32 $0x2C0, s0;
	s20 =	sadd.s32 $0x280, s0  }
0x25: {  	s23 =	sadd.s32 $0x240, s0;
	s24 =	sadd.s32 $0x200, s0;
	s25 =	sadd.s32 $0x1C0, s0  }
0x26: {  	s0 =	sadd.s32 $0x180, s0;
	[dreg:$0x16] =	wrdreg s7;
	s1 =	sshrl.u32 s19, $0x3  }
0x27: {  	s22 =	sshrl.u32 s20, $0x3;
	s2 =	sshrl.u32 s24, $0x3;
	s30 =	sshrl.u32 s25, $0x3  }
0x28: {  	[dreg:$0x1f] =	wrdreg s0;
	s19 =	simm.s32 $0x40;
	s1 =	sadd.s32 s1, s16  }
0x29: {  	s25 =	simm.s32 $0xB;
	[dreg:$0x1a] =	wrdreg s1;
	s1 =	sadd.s32 s22, s16  }
0x2a: {  	s26 =	sadd.s32 s2, s16;
	[dreg:$0x1b] =	wrdreg s1;
	s1 =	sshrl.u32 s23, $0x3  }
0x2b: {  	s24 =	simm.s32 $0xC280;
	[dreg:$0x1d] =	wrdreg s26;
	s1 =	sadd.s32 s1, s16  }
0x2c: {  	s26 =	simm.s32 $0x5;
	[dreg:$0x1c] =	wrdreg s1;
	s1 =	sadd.s32 s30, s16  }
0x2d: {  	v0 =	vimm.s32 $0x2710;
	s16 =	simm.s32 $0xD;
	[dreg:$0x1e] =	wrdreg s1;
	s1 =	simm.s32 $0x4  }
.LBB2_1:
0x2e: {  	[smem:$0x7FA] =	sst s6  }
0x2f: {  	s0 =	rddreg [dreg:$0x7]  }
0x30: {  	s13 =	rddreg [dreg:$0x8]  }
0x31: {  	s14 =	rddreg [dreg:$0x9]  }
0x32: {  	[tilespmem:s4], [sflag:$0x1] =	stream.linear.gather [hbm4b:s0+s4], $0x2000, $0x38;
	[tilespmem:$0x1FCC0] =	vst v63  }
0x33: {  	s8 =	simm.s32 $0xC000;
	s15 =	rddreg [dreg:$0x10]  }
0x34: {  	[tilespmem:s8], [sflag:$0x7] =	stream.linear.gather [hbm4b:s13+s4], $0x40, $0x38;
	[tilespmem:$0x1FCC0] =	vst v63  }
0x35: {  	s9 =	simm.s32 $0x2000;
	s17 =	rddreg [dreg:$0xa]  }
0x36: {  	[tilespmem:s9], [sflag:$0x2] =	stream.linear.gather [hbm4b:s14+s4], $0x2000, $0x38;
	[tilespmem:$0x1FCC0] =	vst v63  }
0x37: {  	s12 =	simm.s32 $0xC080;
	s18 =	rddreg [dreg:$0x11]  }
0x38: {  	[tilespmem:s12], [sflag:$0x8] =	stream.linear.gather [hbm4b:s15+s4], $0x40, $0x38;
	[tilespmem:$0x1FCC0] =	vst v63  }
0x39: {  	s20 =	rddreg [dreg:$0xb];
	s13 =	simm.s32 $0x4000  }
0x3a: {  	[tilespmem:s13], [sflag:$0x3] =	stream.linear.gather [hbm4b:s17+s4], $0x2000, $0x38;
	[tilespmem:$0x1FCC0] =	vst v63  }
0x3b: {  	s21 =	rddreg [dreg:$0x12];
	s14 =	simm.s32 $0xC100  }
0x3c: {  	[tilespmem:s14], [sflag:$0x9] =	stream.linear.gather [hbm4b:s18+s4], $0x40, $0x38;
	[tilespmem:$0x1FCC0] =	vst v63  }
0x3d: {  	s22 =	rddreg [dreg:$0xc];
	s15 =	simm.s32 $0x6000  }
0x3e: {  	[tilespmem:s15], [sflag:$0x4] =	stream.linear.gather [hbm4b:s20+s4], $0x2000, $0x38;
	[tilespmem:$0x1FCC0] =	vst v63  }
0x3f: {  	s23 =	rddreg [dreg:$0x13];
	s17 =	simm.s32 $0xC180  }
0x40: {  	[tilespmem:s17], [sflag:$0xA] =	stream.linear.gather [hbm4b:s21+s4], $0x40, $0x38;
	[tilespmem:$0x1FCC0] =	vst v63  }
0x41: {  	s2 =	rddreg [dreg:$0xd];
	s18 =	simm.s32 $0x8000  }
0x42: {  	[tilespmem:s18], [sflag:$0x5] =	stream.linear.gather [hbm4b:s22+s4], $0x2000, $0x38;
	[tilespmem:$0x1FCC0] =	vst v63  }
0x43: {  	s6 =	rddreg [dreg:$0x14];
	s20 =	simm.s32 $0xC200  }
0x44: {  	[tilespmem:s20], [sflag:$0xB] =	stream.linear.gather [hbm4b:s23+s4], $0x40, $0x38;
	[tilespmem:$0x1FCC0] =	vst v63  }
0x45: {  	s10 =	rddreg [dreg:$0x15];
	s21 =	simm.s32 $0xA000  }
0x46: {  	[tilespmem:s21], [sflag:$0x6] =	stream.linear.gather [hbm4b:s2+s4], $0x2000, $0x38;
	[tilespmem:$0x1FCC0] =	vst v63  }
0x47: {  	s0 =	rddreg [dreg:$0x6];
	s2 =	sshrl.u32 s10, $0x3  }
0x48: {  	s22 =	simm.s32 $0xC280;
	[smem:$0x7FB] =	sst s2  }
0x49: {  	[tilespmem:s22], [sflag:$0xC] =	stream.linear.gather [hbm4b:s6+s4], $0x40, $0x38;
	[tilespmem:$0x1FCC0] =	vst v63  }
0x4a: {  	[spmem:s2], [sflag:s7] =	dma.local [hbm:s0], $0x2700  }
0x4b: {  	_ =	swait.ge [sflag:s16], $0x2700  }
0x4c: {  	s2 =	sld [smem:$0x7FD];
	_ =	sdelay $0x2  }
0x4d: {  	[sflag:s16] =	ssyncset.done $0x0;
	s2 =	sshrl.u32 @!p0 s2, $0x3  }
0x4e: {  	[sflag:s16] =	ssyncadd.s32 $0xFFFFD900;
	[smem:$0x7FC] =	sst s2  }
0x4f: {  	[spmem:s2], [sflag:s7] =	dma.local @!p0 [hbm:s0], $0x100  }
0x50: {  	s0 =	simm.s32 @!p0 $0xD  }
0x51: {  	_ =	swait.ge @!p0 [sflag:s0], $0x100  }
0x52: {  	[sflag:s0] =	ssyncset.done @!p0 $0x0  }
0x53: {  	[sflag:s0] =	ssyncadd.s32 @!p0 $0xFFFFFF00  }
0x54: {  	s23 =	simm.s32 $0x1;
	[bflag:$0x0] =	sbarrier.arrive $0xFFFF  }
0x55: {  	_ =	swait.ge [sflag:s23], $0x2000  }
0x56: {  	[sflag:s23] =	ssyncset.done $0x0  }
0x57: {  	s2 =	simm.s32 $0x7;
	[sflag:s23] =	ssyncadd.s32 $0xFFFFE000  }
0x58: {  	_ =	swait.ge [sflag:s2], $0x40  }
0x59: {  	[sflag:s2] =	ssyncset.done $0x0  }
0x5a: {  	[sflag:s2] =	ssyncadd.s32 $0xFFFFFFC0  }
0x5b: {  	[spmem:s3] =	stream.indirect.scatter.add.f32 [tilespmem:s4], [sflag:$0xD], $0x80, s8, s19, $0xb8;
	[tilespmem:$0x1FCC0] =	vst v63  }
0x5c: {  	_ =	swait.ge [sflag:s16], $0x2000  }
0x5d: {  	s6 =	rddreg [dreg:$0x5]  }
0x5e: {  	[sflag:s16] =	ssyncset.done $0x0;
	s10 =	rddreg [dreg:$0x1f];
	s0 =	sadd.s32 $0x0, s6  }
0x5f: {  	[sflag:s16] =	ssyncadd.s32 $0xFFFFE000;
	s23 =	sshrl.u32 s10, $0x3;
	s7 =	sadd.s32 $0x1800, s0  }
0x60: {  	[tilespmem:s4], [sflag:$0x1] =	stream.linear.gather [hbm4b:s7+s4], $0x2000, $0x38;
	[tilespmem:$0x1FCC0] =	vst v63  }
0x61: {  	s6 =	sadd.s32 s11, s23;
	s7 =	simm.s32 $0x2  }
0x62: {  	[tilespmem:s8], [sflag:$0x7] =	stream.linear.gather [hbm4b:s6+s4], $0x40, $0x38;
	[tilespmem:$0x1FCC0] =	vst v63  }
0x63: {  	_ =	swait.ge [sflag:s7], $0x2000  }
0x64: {  	[sflag:s7] =	ssyncset.done $0x0  }
0x65: {  	s8 =	simm.s32 $0x8;
	[sflag:s7] =	ssyncadd.s32 $0xFFFFE000  }
0x66: {  	_ =	swait.ge [sflag:s8], $0x40  }
0x67: {  	[sflag:s8] =	ssyncset.done $0x0  }
0x68: {  	[sflag:s8] =	ssyncadd.s32 $0xFFFFFFC0  }
0x69: {  	[spmem:s3] =	stream.indirect.scatter.add.f32 [tilespmem:s9], [sflag:$0xD], $0x80, s12, s19, $0xb8;
	[tilespmem:$0x1FCC0] =	vst v63  }
0x6a: {  	_ =	swait.ge [sflag:s16], $0x2000  }
0x6b: {  	[sflag:s16] =	ssyncset.done $0x0  }
0x6c: {  	s23 =	sadd.s32 $0x1C00, s0;
	[sflag:s16] =	ssyncadd.s32 $0xFFFFE000  }
0x6d: {  	[tilespmem:s9], [sflag:$0x2] =	stream.linear.gather [hbm4b:s23+s4], $0x2000, $0x38;
	[tilespmem:$0x1FCC0] =	vst v63  }
0x6e: {  	s7 =	simm.s32 $0x3;
	s6 =	rddreg [dreg:$0x1e]  }
0x6f: {  	[tilespmem:s12], [sflag:$0x8] =	stream.linear.gather [hbm4b:s6+s4], $0x40, $0x38;
	[tilespmem:$0x1FCC0] =	vst v63  }
0x70: {  	_ =	swait.ge [sflag:s7], $0x2000  }
0x71: {  	[sflag:s7] =	ssyncset.done $0x0  }
0x72: {  	s8 =	simm.s32 $0x9;
	[sflag:s7] =	ssyncadd.s32 $0xFFFFE000  }
0x73: {  	_ =	swait.ge [sflag:s8], $0x40  }
0x74: {  	[sflag:s8] =	ssyncset.done $0x0  }
0x75: {  	[sflag:s8] =	ssyncadd.s32 $0xFFFFFFC0  }
0x76: {  	[spmem:s3] =	stream.indirect.scatter.add.f32 [tilespmem:s13], [sflag:$0xD], $0x80, s14, s19, $0xb8;
	[tilespmem:$0x1FCC0] =	vst v63  }
0x77: {  	_ =	swait.ge [sflag:s16], $0x2000  }
0x78: {  	[sflag:s16] =	ssyncset.done $0x0  }
0x79: {  	s12 =	sadd.s32 $0x2000, s0;
	[sflag:s16] =	ssyncadd.s32 $0xFFFFE000  }
0x7a: {  	[tilespmem:s13], [sflag:$0x3] =	stream.linear.gather [hbm4b:s12+s4], $0x2000, $0x38;
	[tilespmem:$0x1FCC0] =	vst v63  }
0x7b: {  	s13 =	rddreg [dreg:$0x1d]  }
0x7c: {  	[tilespmem:s14], [sflag:$0x9] =	stream.linear.gather [hbm4b:s13+s4], $0x40, $0x38;
	[tilespmem:$0x1FCC0] =	vst v63  }
0x7d: {  	_ =	swait.ge [sflag:s1], $0x2000  }
0x7e: {  	[sflag:s1] =	ssyncset.done $0x0  }
0x7f: {  	[sflag:s1] =	ssyncadd.s32 $0xFFFFE000  }
0x80: {  	_ =	swait.ge [sflag:s5], $0x40  }
0x81: {  	[sflag:s5] =	ssyncset.done $0x0  }
0x82: {  	[sflag:s5] =	ssyncadd.s32 $0xFFFFFFC0  }
0x83: {  	[spmem:s3] =	stream.indirect.scatter.add.f32 [tilespmem:s15], [sflag:$0xD], $0x80, s17, s19, $0xb8;
	[tilespmem:$0x1FCC0] =	vst v63  }
0x84: {  	_ =	swait.ge [sflag:s16], $0x2000  }
0x85: {  	[sflag:s16] =	ssyncset.done $0x0  }
0x86: {  	s14 =	sadd.s32 $0x2400, s0;
	[sflag:s16] =	ssyncadd.s32 $0xFFFFE000  }
0x87: {  	[tilespmem:s15], [sflag:$0x4] =	stream.linear.gather [hbm4b:s14+s4], $0x2000, $0x38;
	[tilespmem:$0x1FCC0] =	vst v63  }
0x88: {  	s15 =	rddreg [dreg:$0x1c]  }
0x89: {  	[tilespmem:s17], [sflag:$0xA] =	stream.linear.gather [hbm4b:s15+s4], $0x40, $0x38;
	[tilespmem:$0x1FCC0] =	vst v63  }
0x8a: {  	_ =	swait.ge [sflag:s26], $0x2000  }
0x8b: {  	[sflag:s26] =	ssyncset.done $0x0  }
0x8c: {  	[sflag:s26] =	ssyncadd.s32 $0xFFFFE000  }
0x8d: {  	_ =	swait.ge [sflag:s25], $0x40  }
0x8e: {  	[sflag:s25] =	ssyncset.done $0x0  }
0x8f: {  	[sflag:s25] =	ssyncadd.s32 $0xFFFFFFC0  }
0x90: {  	[spmem:s3] =	stream.indirect.scatter.add.f32 [tilespmem:s18], [sflag:$0xD], $0x80, s20, s19, $0xb8;
	[tilespmem:$0x1FCC0] =	vst v63  }
0x91: {  	_ =	swait.ge [sflag:s16], $0x2000  }
0x92: {  	[sflag:s16] =	ssyncset.done $0x0  }
0x93: {  	s17 =	sadd.s32 $0x2800, s0;
	[sflag:s16] =	ssyncadd.s32 $0xFFFFE000  }
0x94: {  	[tilespmem:s18], [sflag:$0x5] =	stream.linear.gather [hbm4b:s17+s4], $0x2000, $0x38;
	[tilespmem:$0x1FCC0] =	vst v63  }
0x95: {  	s23 =	rddreg [dreg:$0x1b]  }
0x96: {  	[tilespmem:s20], [sflag:$0xB] =	stream.linear.gather [hbm4b:s23+s4], $0x40, $0x38;
	[tilespmem:$0x1FCC0] =	vst v63  }
0x97: {  	_ =	swait.ge [sflag:s28], $0x2000  }
0x98: {  	[sflag:s28] =	ssyncset.done $0x0  }
0x99: {  	[sflag:s28] =	ssyncadd.s32 $0xFFFFE000  }
0x9a: {  	_ =	swait.ge [sflag:s29], $0x40  }
0x9b: {  	[sflag:s29] =	ssyncset.done $0x0  }
0x9c: {  	[sflag:s29] =	ssyncadd.s32 $0xFFFFFFC0  }
0x9d: {  	[spmem:s3] =	stream.indirect.scatter.add.f32 [tilespmem:s21], [sflag:$0xD], $0x80, s22, s19, $0xb8;
	[tilespmem:$0x1FCC0] =	vst v63  }
0x9e: {  	s31 =	simm.s32 $0x1800;
	s30 =	sadd.s32 $0x180, s10;
	_ =	swait.ge [sflag:s16], $0x2000  }
0x9f: {  	s7 =	sadd.s32 $0x30, s15;
	[sflag:s16] =	ssyncset.done $0x0;
	s8 =	rddreg [dreg:$0x1a]  }
0xa0: {  	s0 =	sadd.s32 $0x2C00, s0;
	[sflag:s16] =	ssyncadd.s32 $0xFFFFE000;
	s2 =	sadd.s32 $0x30, s8  }
0xa1: {  	[tilespmem:s21], [sflag:$0x6] =	stream.linear.gather [hbm4b:s0+s4], $0x2000, $0x38;
	[tilespmem:$0x1FCC0] =	vst v63  }
0xa2: {  	s21 =	sadd.s32 $0x30, s6;
	s0 =	sadd.s32 $0x30, s13;
	s6 =	sadd.s32 $0x30, s23  }
.LBB2_2:
0xa3: {  	[tilespmem:s24], [sflag:$0xC] =	stream.linear.gather [hbm4b:s8+s4], $0x40, $0x38;
	[tilespmem:$0x1FCC0] =	vst v63  }
0xa4: {  	s10 =	simm.s32 $0x1  }
0xa5: {  	_ =	swait.ge [sflag:s10], $0x2000  }
0xa6: {  	[sflag:s10] =	ssyncset.done $0x0  }
0xa7: {  	s22 =	simm.s32 $0x7;
	[sflag:s10] =	ssyncadd.s32 $0xFFFFE000  }
0xa8: {  	_ =	swait.ge [sflag:s22], $0x40  }
0xa9: {  	[sflag:s22] =	ssyncset.done $0x0  }
0xaa: {  	s13 =	simm.s32 $0xC000;
	[sflag:s22] =	ssyncadd.s32 $0xFFFFFFC0  }
0xab: {  	[spmem:s3] =	stream.indirect.scatter.add.f32 [tilespmem:s4], [sflag:$0xD], $0x80, s13, s19, $0xb8;
	[tilespmem:$0x1FCC0] =	vst v63  }
0xac: {  	_ =	swait.ge [sflag:s16], $0x2000  }
0xad: {  	s9 =	smov.u32 s31;
	s23 =	rddreg [dreg:$0x5]  }
0xae: {  	[sflag:s16] =	ssyncset.done $0x0;
	s9 =	sadd.s32 s9, s23  }
0xaf: {  	s12 =	sshrl.u32 s30, $0x3;
	[sflag:s16] =	ssyncadd.s32 $0xFFFFE000;
	s10 =	sadd.s32 $0x1800, s9  }
0xb0: {  	[tilespmem:s4], [sflag:$0x1] =	stream.linear.gather [hbm4b:s10+s4], $0x2000, $0x38;
	[tilespmem:$0x1FCC0] =	vst v63  }
0xb1: {  	s12 =	sadd.s32 s11, s12  }
0xb2: {  	[tilespmem:s13], [sflag:$0x7] =	stream.linear.gather [hbm4b:s12+s4], $0x40, $0x38;
	[tilespmem:$0x1FCC0] =	vst v63  }
0xb3: {  	s13 =	simm.s32 $0x2  }
0xb4: {  	_ =	swait.ge [sflag:s13], $0x2000  }
0xb5: {  	[sflag:s13] =	ssyncset.done $0x0  }
0xb6: {  	s14 =	simm.s32 $0x8;
	[sflag:s13] =	ssyncadd.s32 $0xFFFFE000  }
0xb7: {  	_ =	swait.ge [sflag:s14], $0x40  }
0xb8: {  	[sflag:s14] =	ssyncset.done $0x0  }
0xb9: {  	s15 =	simm.s32 $0x2000;
	[sflag:s14] =	ssyncadd.s32 $0xFFFFFFC0;
	s14 =	simm.s32 $0xC080  }
0xba: {  	[spmem:s3] =	stream.indirect.scatter.add.f32 [tilespmem:s15], [sflag:$0xD], $0x80, s14, s19, $0xb8;
	[tilespmem:$0x1FCC0] =	vst v63  }
0xbb: {  	_ =	swait.ge [sflag:s16], $0x2000  }
0xbc: {  	[sflag:s16] =	ssyncset.done $0x0  }
0xbd: {  	s17 =	sadd.s32 $0x1C00, s9;
	[sflag:s16] =	ssyncadd.s32 $0xFFFFE000  }
0xbe: {  	[tilespmem:s15], [sflag:$0x2] =	stream.linear.gather [hbm4b:s17+s4], $0x2000, $0x38;
	[tilespmem:$0x1FCC0] =	vst v63  }
0xbf: {  	s18 =	simm.s32 $0x3  }
0xc0: {  	[tilespmem:s14], [sflag:$0x8] =	stream.linear.gather [hbm4b:s21+s4], $0x40, $0x38;
	[tilespmem:$0x1FCC0] =	vst v63  }
0xc1: {  	_ =	swait.ge [sflag:s18], $0x2000  }
0xc2: {  	[sflag:s18] =	ssyncset.done $0x0  }
0xc3: {  	s20 =	simm.s32 $0x9;
	[sflag:s18] =	ssyncadd.s32 $0xFFFFE000  }
0xc4: {  	_ =	swait.ge [sflag:s20], $0x40  }
0xc5: {  	[sflag:s20] =	ssyncset.done $0x0  }
0xc6: {  	s15 =	simm.s32 $0x4000;
	s17 =	simm.s32 $0xC100;
	[sflag:s20] =	ssyncadd.s32 $0xFFFFFFC0  }
0xc7: {  	[spmem:s3] =	stream.indirect.scatter.add.f32 [tilespmem:s15], [sflag:$0xD], $0x80, s17, s19, $0xb8;
	[tilespmem:$0x1FCC0] =	vst v63  }
0xc8: {  	_ =	swait.ge [sflag:s16], $0x2000  }
0xc9: {  	[sflag:s16] =	ssyncset.done $0x0  }
0xca: {  	s22 =	sadd.s32 $0x2000, s9;
	[sflag:s16] =	ssyncadd.s32 $0xFFFFE000  }
0xcb: {  	[tilespmem:s15], [sflag:$0x3] =	stream.linear.gather [hbm4b:s22+s4], $0x2000, $0x38;
	[tilespmem:$0x1FCC0] =	vst v63  }
0xcc: {  	_ = 	snop  }
0xcd: {  	[tilespmem:s17], [sflag:$0x9] =	stream.linear.gather [hbm4b:s0+s4], $0x40, $0x38;
	[tilespmem:$0x1FCC0] =	vst v63  }
0xce: {  	_ =	swait.ge [sflag:s1], $0x2000  }
0xcf: {  	[sflag:s1] =	ssyncset.done $0x0  }
0xd0: {  	[sflag:s1] =	ssyncadd.s32 $0xFFFFE000  }
0xd1: {  	_ =	swait.ge [sflag:s5], $0x40  }
0xd2: {  	[sflag:s5] =	ssyncset.done $0x0  }
0xd3: {  	s18 =	simm.s32 $0x6000;
	s20 =	simm.s32 $0xC180;
	[sflag:s5] =	ssyncadd.s32 $0xFFFFFFC0  }
0xd4: {  	[spmem:s3] =	stream.indirect.scatter.add.f32 [tilespmem:s18], [sflag:$0xD], $0x80, s20, s19, $0xb8;
	[tilespmem:$0x1FCC0] =	vst v63  }
0xd5: {  	_ =	swait.ge [sflag:s16], $0x2000  }
0xd6: {  	[sflag:s16] =	ssyncset.done $0x0  }
0xd7: {  	s23 =	sadd.s32 $0x2400, s9;
	[sflag:s16] =	ssyncadd.s32 $0xFFFFE000  }
0xd8: {  	[tilespmem:s18], [sflag:$0x4] =	stream.linear.gather [hbm4b:s23+s4], $0x2000, $0x38;
	[tilespmem:$0x1FCC0] =	vst v63  }
0xd9: {  	_ = 	snop  }
0xda: {  	[tilespmem:s20], [sflag:$0xA] =	stream.linear.gather [hbm4b:s7+s4], $0x40, $0x38;
	[tilespmem:$0x1FCC0] =	vst v63  }
0xdb: {  	_ =	swait.ge [sflag:s26], $0x2000  }
0xdc: {  	[sflag:s26] =	ssyncset.done $0x0  }
0xdd: {  	[sflag:s26] =	ssyncadd.s32 $0xFFFFE000  }
0xde: {  	_ =	swait.ge [sflag:s25], $0x40  }
0xdf: {  	[sflag:s25] =	ssyncset.done $0x0  }
0xe0: {  	s22 =	simm.s32 $0x8000;
	s23 =	simm.s32 $0xC200;
	[sflag:s25] =	ssyncadd.s32 $0xFFFFFFC0  }
0xe1: {  	[spmem:s3] =	stream.indirect.scatter.add.f32 [tilespmem:s22], [sflag:$0xD], $0x80, s23, s19, $0xb8;
	[tilespmem:$0x1FCC0] =	vst v63  }
0xe2: {  	_ =	swait.ge [sflag:s16], $0x2000  }
0xe3: {  	[sflag:s16] =	ssyncset.done $0x0  }
0xe4: {  	s10 =	sadd.s32 $0x2800, s9;
	[sflag:s16] =	ssyncadd.s32 $0xFFFFE000  }
0xe5: {  	[tilespmem:s22], [sflag:$0x5] =	stream.linear.gather [hbm4b:s10+s4], $0x2000, $0x38;
	[tilespmem:$0x1FCC0] =	vst v63  }
0xe6: {  	_ = 	snop  }
0xe7: {  	[tilespmem:s23], [sflag:$0xB] =	stream.linear.gather [hbm4b:s6+s4], $0x40, $0x38;
	[tilespmem:$0x1FCC0] =	vst v63  }
0xe8: {  	s8 =	smov.u32 s2;
	p1 =	sne.s32 s31, $0x24000;
	_ =	swait.ge [sflag:s28], $0x2000  }
0xe9: {  	s31 =	sadd.s32 $0x1800, s31;
	s30 =	sadd.s32 $0x180, s30;
	[sflag:s28] =	ssyncset.done $0x0  }
0xea: {  	s2 =	sadd.s32 $0x30, s2;
	s9 =	sadd.s32 $0x2C00, s9;
	[sflag:s28] =	ssyncadd.s32 $0xFFFFE000  }
0xeb: {  	s12 =	simm.s32 $0x2000;
	s13 =	simm.s32 $0xC080;
	_ =	swait.ge [sflag:s29], $0x40  }
0xec: {  	s14 =	simm.s32 $0x4000;
	s21 =	sadd.s32 $0x30, s21;
	[sflag:s29] =	ssyncset.done $0x0  }
0xed: {  	s15 =	simm.s32 $0xC100;
	s23 =	simm.s32 $0xA000;
	[sflag:s29] =	ssyncadd.s32 $0xFFFFFFC0  }
0xee: {  	[spmem:s3] =	stream.indirect.scatter.add.f32 [tilespmem:s23], [sflag:$0xD], $0x80, s24, s19, $0xb8;
	[tilespmem:$0x1FCC0] =	vst v63  }
.Ltmp0:
0xef: {  	s17 =	simm.s32 $0x6000;
	s0 =	sadd.s32 $0x30, s0;
	(pc) =	sbr.rel @p1 .LBB2_2-.Ltmp0, $4  }
0xf0: {  	s18 =	simm.s32 $0xC180;
	s20 =	simm.s32 $0x8000;
	_ =	swait.ge [sflag:s16], $0x2000  }
0xf1: {  	s7 =	sadd.s32 $0x30, s7;
	s10 =	simm.s32 $0xC200;
	[sflag:s16] =	ssyncset.done $0x0  }
0xf2: {  	s22 =	simm.s32 $0xA000;
	s6 =	sadd.s32 $0x30, s6;
	[sflag:s16] =	ssyncadd.s32 $0xFFFFE000  }
0xf3: {  	[tilespmem:s23], [sflag:$0x6] =	stream.linear.gather [hbm4b:s9+s4], $0x2000, $0x38;
	[tilespmem:$0x1FCC0] =	vst v63  }
0xf4: {  	s6 =	simm.s32 $0xC280;
	s7 =	simm.s32 $0x1  }
0xf5: {  	[tilespmem:s6], [sflag:$0xC] =	stream.linear.gather [hbm4b:s8+s4], $0x40, $0x38;
	[tilespmem:$0x1FCC0] =	vst v63  }
0xf6: {  	_ =	swait.ge [sflag:s7], $0x2000  }
0xf7: {  	[sflag:s7] =	ssyncset.done $0x0  }
0xf8: {  	s23 =	simm.s32 $0x7;
	[sflag:s7] =	ssyncadd.s32 $0xFFFFE000  }
0xf9: {  	_ =	swait.ge [sflag:s23], $0x40  }
0xfa: {  	[sflag:s23] =	ssyncset.done $0x0  }
0xfb: {  	s2 =	simm.s32 $0xC000;
	[sflag:s23] =	ssyncadd.s32 $0xFFFFFFC0  }
0xfc: {  	[spmem:s3] =	stream.indirect.scatter.add.f32 [tilespmem:s4], [sflag:$0xD], $0x80, s2, s19, $0xb8;
	[tilespmem:$0x1FCC0] =	vst v63  }
0xfd: {  	_ =	swait.ge [sflag:s16], $0x2000  }
0xfe: {  	[sflag:s16] =	ssyncset.done $0x0  }
0xff: {  	s0 =	rddreg [dreg:$0xf];
	[sflag:s16] =	ssyncadd.s32 $0xFFFFE000  }
0x100: {  	[tilespmem:s4], [sflag:$0x1] =	stream.linear.gather [hbm4b:s0+s4], $0x2000, $0x38;
	[tilespmem:$0x1FCC0] =	vst v63  }
0x101: {  	s31 =	simm.s32 $0x2;
	s30 =	rddreg [dreg:$0x17]  }
0x102: {  	[tilespmem:s2], [sflag:$0x7] =	stream.linear.gather [hbm4b:s30+s4], $0x40, $0x38;
	[tilespmem:$0x1FCC0] =	vst v63  }
0x103: {  	_ =	swait.ge [sflag:s31], $0x2000  }
0x104: {  	[sflag:s31] =	ssyncset.done $0x0  }
0x105: {  	s9 =	simm.s32 $0x8;
	[sflag:s31] =	ssyncadd.s32 $0xFFFFE000  }
0x106: {  	_ =	swait.ge [sflag:s9], $0x40  }
0x107: {  	[sflag:s9] =	ssyncset.done $0x0  }
0x108: {  	[sflag:s9] =	ssyncadd.s32 $0xFFFFFFC0  }
0x109: {  	[spmem:s3] =	stream.indirect.scatter.add.f32 [tilespmem:s12], [sflag:$0xD], $0x80, s13, s19, $0xb8;
	[tilespmem:$0x1FCC0] =	vst v63  }
0x10a: {  	_ =	swait.ge [sflag:s16], $0x2000  }
0x10b: {  	[sflag:s16] =	ssyncset.done $0x0  }
0x10c: {  	s13 =	simm.s32 $0x3;
	[sflag:s16] =	ssyncadd.s32 $0xFFFFE000  }
0x10d: {  	_ =	swait.ge [sflag:s13], $0x2000  }
0x10e: {  	[sflag:s13] =	ssyncset.done $0x0  }
0x10f: {  	s21 =	simm.s32 $0x9;
	[sflag:s13] =	ssyncadd.s32 $0xFFFFE000  }
0x110: {  	_ =	swait.ge [sflag:s21], $0x40  }
0x111: {  	[sflag:s21] =	ssyncset.done $0x0  }
0x112: {  	[sflag:s21] =	ssyncadd.s32 $0xFFFFFFC0  }
0x113: {  	[spmem:s3] =	stream.indirect.scatter.add.f32 [tilespmem:s14], [sflag:$0xD], $0x80, s15, s19, $0xb8;
	[tilespmem:$0x1FCC0] =	vst v63  }
0x114: {  	_ =	swait.ge [sflag:s16], $0x2000  }
0x115: {  	[sflag:s16] =	ssyncset.done $0x0  }
0x116: {  	[sflag:s16] =	ssyncadd.s32 $0xFFFFE000  }
0x117: {  	_ =	swait.ge [sflag:s1], $0x2000  }
0x118: {  	[sflag:s1] =	ssyncset.done $0x0  }
0x119: {  	[sflag:s1] =	ssyncadd.s32 $0xFFFFE000  }
0x11a: {  	_ =	swait.ge [sflag:s5], $0x40  }
0x11b: {  	[sflag:s5] =	ssyncset.done $0x0  }
0x11c: {  	[sflag:s5] =	ssyncadd.s32 $0xFFFFFFC0  }
0x11d: {  	[spmem:s3] =	stream.indirect.scatter.add.f32 [tilespmem:s17], [sflag:$0xD], $0x80, s18, s19, $0xb8;
	[tilespmem:$0x1FCC0] =	vst v63  }
0x11e: {  	_ =	swait.ge [sflag:s16], $0x2000  }
0x11f: {  	[sflag:s16] =	ssyncset.done $0x0  }
0x120: {  	[sflag:s16] =	ssyncadd.s32 $0xFFFFE000  }
0x121: {  	_ =	swait.ge [sflag:s26], $0x2000  }
0x122: {  	[sflag:s26] =	ssyncset.done $0x0  }
0x123: {  	[sflag:s26] =	ssyncadd.s32 $0xFFFFE000  }
0x124: {  	_ =	swait.ge [sflag:s25], $0x40  }
0x125: {  	[sflag:s25] =	ssyncset.done $0x0  }
0x126: {  	[sflag:s25] =	ssyncadd.s32 $0xFFFFFFC0  }
0x127: {  	[spmem:s3] =	stream.indirect.scatter.add.f32 [tilespmem:s20], [sflag:$0xD], $0x80, s10, s19, $0xb8;
	[tilespmem:$0x1FCC0] =	vst v63  }
0x128: {  	_ =	swait.ge [sflag:s16], $0x2000  }
0x129: {  	[sflag:s16] =	ssyncset.done $0x0  }
0x12a: {  	[sflag:s16] =	ssyncadd.s32 $0xFFFFE000  }
0x12b: {  	_ =	swait.ge [sflag:s28], $0x2000  }
0x12c: {  	[sflag:s28] =	ssyncset.done $0x0  }
0x12d: {  	[sflag:s28] =	ssyncadd.s32 $0xFFFFE000  }
0x12e: {  	_ =	swait.ge [sflag:s29], $0x40  }
0x12f: {  	[sflag:s29] =	ssyncset.done $0x0  }
0x130: {  	[sflag:s29] =	ssyncadd.s32 $0xFFFFFFC0  }
0x131: {  	[spmem:s3] =	stream.indirect.scatter.add.f32 [tilespmem:s22], [sflag:$0xD], $0x80, s6, s19, $0xb8;
	[tilespmem:$0x1FCC0] =	vst v63  }
0x132: {  	_ =	swait.ge [sflag:s16], $0x2000  }
0x133: {  	[sflag:s16] =	ssyncset.done $0x0  }
0x134: {  	[sflag:s16] =	ssyncadd.s32 $0xFFFFE000  }
0x135: {  	_ =	swait.ge [sflag:s7], $0x2000  }
0x136: {  	[sflag:s7] =	ssyncset.done $0x0  }
0x137: {  	[sflag:s7] =	ssyncadd.s32 $0xFFFFE000  }
0x138: {  	_ =	swait.ge [sflag:s23], $0x40  }
0x139: {  	[sflag:s23] =	ssyncset.done $0x0  }
0x13a: {  	[sflag:s23] =	ssyncadd.s32 $0xFFFFFFC0  }
0x13b: {  	[tilespmem:$0xC000] =	vst v0  }
0x13c: {  	[tilespmem:$0xC010] =	vst v0  }
0x13d: {  	[tilespmem:$0xC020] =	vst v0  }
0x13e: {  	[spmem:s3] =	stream.indirect.scatter.add.f32 [tilespmem:s4], [sflag:$0xD], $0x80, s2, s19, $0xb8;
	[tilespmem:$0x1FCC0] =	vst v63  }
0x13f: {  	_ =	swait.ge [sflag:s16], $0x2000  }
0x140: {  	[sflag:s16] =	ssyncset.done $0x0  }
0x141: {  	[sflag:s16] =	ssyncadd.s32 $0xFFFFE000  }
0x142: {  	[bflag:$0x0] =	sbarrier.arrive $0xFFFF  }
0x143: {  	s23 =	sld [smem:$0x7FB]  }
0x144: {  	s22 =	rddreg [dreg:$0xe]  }
0x145: {  	s7 =	rddreg [dreg:$0x16]  }
0x146: {  	[hbm:s22], [sflag:s7] =	dma.local [spmem:s23], $0x2700  }
0x147: {  	_ =	swait.ge [sflag:s16], $0x2700  }
0x148: {  	s2 =	sld [smem:$0x7FC]  }
0x149: {  	[sflag:s16] =	ssyncset.done $0x0  }
0x14a: {  	s0 =	rddreg [dreg:$0x18];
	[sflag:s16] =	ssyncadd.s32 $0xFFFFD900  }
0x14b: {  	[hbm:s0], [sflag:s7] =	dma.local @!p0 [spmem:s2], $0x100  }
0x14c: {  	s0 =	simm.s32 @!p0 $0xD  }
0x14d: {  	_ =	swait.ge @!p0 [sflag:s0], $0x100  }
0x14e: {  	s30 =	sld [smem:$0x7FA];
	_ =	sdelay $0x2  }
0x14f: {  	s31 =	rddreg [dreg:$0x19];
	s6 =	sadd.s32 $0x1, s30  }
0x150: {  	p1 =	sne.s32 s6, s31  }
.Ltmp1:
0x151: {  	_ = 	snop;
	(pc) =	sbr.rel @p1 .LBB2_1-.Ltmp1, $3  }
0x152: {  	_ =	sdelay $0x1  }
0x153: {  	[sflag:s0] =	ssyncset.done @!p0 $0x0  }
0x154: {  	[sflag:s0] =	ssyncadd.s32 @!p0 $0xFFFFFF00  }
0x155: {  	_ =	sfence.sel $0x180000  }
0x156: {  	[bflag:$0x0] =	sbarrier.arrive $0xFFFF  }
0x157: {  	_ =	strace $0x90000047  }
0x158: {  	s0 =	stileid.u32;
	[bflag:$0x2] =	sbarrier.arrive $0xFFFF  }
0x159: {  	p0 =	sne.s32 s0, $0x0;
	s0 =	rddreg [dreg:$0x4]  }
0x15a: {  	s0 =	sadd.s32 @!p0 $0x100000, s0  }
0x15b: {  	[sflag:s0] =	ssyncadd.tile.s32 @!p0 $0x1;
	_ =	shalt  }
.Lfunc_end2:
_tile_overlayer_lowered:
.L_overlay_start_2:
0x15c: {  	(tag) =	ssettag $0x2  }
0x15d: {  	s0 =	rddreg [dreg:$0x0];
	s2 =	stileid.u32  }
0x15e: {  	s1 =	rddreg [dreg:$0x1];
	p0 =	sne.s32 s2, $0x0  }
0x15f: {  	s3 =	rddreg [dreg:$0x2];
	[bflag:$0x3] =	sbarrier.arrive $0xFFFF;
	s2 =	simm.s32 @!p0 $0x1C0D  }
0x160: {  	[timem:s3], [sflag:s2] =	dma.local @!p0 [hbm:s0], s1  }
0x161: {  	s0 =	simm.s32 @!p0 $0xD  }
0x162: {  	_ =	swait.ge @!p0 [sflag:s0], s1  }
0x163: {  	s1 =	ssub.s32 @!p0 $0x0, s1;
	[sflag:s0] =	ssyncset.done @!p0 $0x0  }
0x164: {  	[sflag:s0] =	ssyncadd.s32 @!p0 s1  }
0x165: {  	[bflag:$0x3] =	sbarrier.arrive $0xFFFF  }
0x166: {  	_ =	shalt  }

</sc_bundles>
